<compile_context>
chip_gen: v7x
topology: tpu7x:2x2x1
jax: 0.10.2.dev20260603
libtpu: 0.0.44.dev20260713+nightly
codegen_flags: <defaults>
</compile_context>

<pallas_src>
import jax
import jax.numpy as jnp
from jax import lax
from jax.experimental import pallas as pl
from jax.experimental.pallas import tpu as pltpu
from jax.experimental.pallas import tpu_sc as plsc


def _bcast_take(vec, idx):
    return lax.gather(
        vec, idx[:, None],
        lax.GatherDimensionNumbers(offset_dims=(), collapsed_slice_dims=(0,),
                                   start_index_map=(0,)),
        (1,), mode=lax.GatherScatterMode.PROMISE_IN_BOUNDS)


def _build_sc_kernel(n_workers, nc, per_w, n_iters, rows_per_batch, tot_cols):
    CH = 16
    mesh = plsc.VectorSubcoreMesh(core_axis_name="c", subcore_axis_name="s")

    def body(xs_hbm, ys_hbm, zs_hbm, coef_hbm, feat_hbm, out_hbm,
             xs_v, ys_v, zs_v, coef_v, idx_v, rows_v, out_v, sem):
        wid = lax.axis_index("s") * nc + lax.axis_index("c")
        base = wid * per_w
        b = wid // (n_workers // (coef_hbm.shape[0] // 16))
        pltpu.sync_copy(xs_hbm.at[pl.ds(base, per_w)], xs_v)
        pltpu.sync_copy(ys_hbm.at[pl.ds(base, per_w)], ys_v)
        pltpu.sync_copy(zs_hbm.at[pl.ds(base, per_w)], zs_v)
        pltpu.sync_copy(coef_hbm, coef_v)
        cvec = coef_v[pl.ds(b * 16, 16)]

        def bc(i):
            return _bcast_take(cvec, jnp.full((16,), i, jnp.int32))

        av = bc(0)
        bv = bc(1)
        cv = bc(2)
        dv = bc(3)
        ev = bc(4)
        rowoff = b * rows_per_batch

        def iter_body(it, carry):
            o = it * CH
            x = xs_v[pl.ds(o, 16)]
            y = ys_v[pl.ds(o, 16)]
            z = zs_v[pl.ds(o, 16)] - 0.8
            wn = (av * x + bv * y) / z + cv
            hn = (dv * y) / z + ev
            wn = jnp.minimum(jnp.maximum(wn, -1.0), 1.0)
            hn = jnp.minimum(jnp.maximum(hn, -1.0), 1.0)
            ixf = ((wn + 1.0) * 56.0 - 1.0) * 0.5
            iyf = ((hn + 1.0) * 56.0 - 1.0) * 0.5

            def fl(v):
                t = v.astype(jnp.int32)
                tf = t.astype(jnp.float32)
                return t - (tf > v).astype(jnp.int32)

            ix0 = fl(ixf)
            iy0 = fl(iyf)
            wx1 = ixf - ix0.astype(jnp.float32)
            wx0 = 1.0 - wx1
            wy1 = iyf - iy0.astype(jnp.float32)
            wy0 = 1.0 - wy1
            ix1 = ix0 + 1
            iy1 = iy0 + 1
            zero = jnp.zeros((16,), jnp.int32)
            last = jnp.full((16,), 55, jnp.int32)
            vx0 = ((ix0 >= 0) & (ix0 <= 55)).astype(jnp.float32)
            vx1 = ((ix1 >= 0) & (ix1 <= 55)).astype(jnp.float32)
            vy0 = ((iy0 >= 0) & (iy0 <= 55)).astype(jnp.float32)
            vy1 = ((iy1 >= 0) & (iy1 <= 55)).astype(jnp.float32)
            cx0 = jnp.minimum(jnp.maximum(ix0, zero), last)
            cx1 = jnp.minimum(jnp.maximum(ix1, zero), last)
            cy0 = jnp.minimum(jnp.maximum(iy0, zero), last)
            cy1 = jnp.minimum(jnp.maximum(iy1, zero), last)
            idx_v[pl.ds(0, 16)] = rowoff + cy0 * 56 + cx0
            idx_v[pl.ds(16, 16)] = rowoff + cy0 * 56 + cx1
            idx_v[pl.ds(32, 16)] = rowoff + cy1 * 56 + cx0
            idx_v[pl.ds(48, 16)] = rowoff + cy1 * 56 + cx1
            w00 = wy0 * wx0 * vy0 * vx0
            w01 = wy0 * wx1 * vy0 * vx1
            w10 = wy1 * wx0 * vy1 * vx0
            w11 = wy1 * wx1 * vy1 * vx1
            pltpu.async_copy(feat_hbm.at[idx_v], rows_v, sem).wait()

            def p_body(p, c2):
                lane = jnp.full((16,), 0, jnp.int32) + p
                wb0 = _bcast_take(w00, lane)
                wb1 = _bcast_take(w01, lane)
                wb2 = _bcast_take(w10, lane)
                wb3 = _bcast_take(w11, lane)

                @plsc.parallel_loop(0, tot_cols // 16, unroll=4)
                def s_body(s):
                    off = s * 16
                    acc = (wb0 * rows_v[p, pl.ds(off, 16)]
                           + wb1 * rows_v[p + 16, pl.ds(off, 16)]
                           + wb2 * rows_v[p + 32, pl.ds(off, 16)]
                           + wb3 * rows_v[p + 48, pl.ds(off, 16)])
                    out_v[p, pl.ds(off, 16)] = acc

                return c2

            lax.fori_loop(0, CH, p_body, 0)
            pltpu.sync_copy(out_v, out_hbm.at[pl.ds(base + o, CH)])
            return carry

        lax.fori_loop(0, n_iters, iter_body, 0)

    return mesh, body


def kernel(resolution, img_features, inputs, camK):
    B, N, _ = inputs.shape
    L, _, C, H, W = img_features.shape
    CT = L * C

    info = plsc.get_sparse_core_info()
    NC, NS = info.num_cores, info.num_subcores
    NW = NC * NS
    wpb = NW // B
    per_w = -(-N // (wpb * 16)) * 16
    n_iters = per_w // 16
    Npad = per_w * wpb

    scale = 256.0 / 1920.0
    k = camK * scale
    hr = (resolution - 1.0) / 2.0
    hr0, hr1 = hr[0], hr[1]
    a = -k[:, 0, 0] / hr0
    bb = -k[:, 0, 1] / hr0
    c = (k[:, 0, 2] - hr0) / hr0
    d = k[:, 1, 1] / hr1
    e = (k[:, 1, 2] - hr1) / hr1
    z3 = jnp.zeros_like(a)
    coef = jnp.stack([a, bb, c, d, e] + [z3] * 11, axis=1).reshape(-1)

    feat = jnp.transpose(img_features, (1, 3, 4, 0, 2)).reshape(B * H * W, CT)

    inp_p = jnp.pad(inputs, ((0, 0), (0, Npad - N), (0, 0)))
    xs = inp_p[:, :, 0].reshape(-1)
    ys = inp_p[:, :, 1].reshape(-1)
    zs = inp_p[:, :, 2].reshape(-1)

    mesh, body = _build_sc_kernel(NW, NC, per_w, n_iters, H * W, CT)

    run = pl.kernel(
        body,
        mesh=mesh,
        compiler_params=pltpu.CompilerParams(needs_layout_passes=False),
        out_type=jax.ShapeDtypeStruct((B * Npad, CT), jnp.float32),
        scratch_types=[
            pltpu.VMEM((per_w,), jnp.float32),
            pltpu.VMEM((per_w,), jnp.float32),
            pltpu.VMEM((per_w,), jnp.float32),
            pltpu.VMEM((B * 16,), jnp.float32),
            pltpu.VMEM((64,), jnp.int32),
            pltpu.VMEM((64, CT), jnp.float32),
            pltpu.VMEM((16, CT), jnp.float32),
            pltpu.SemaphoreType.DMA,
        ],
    )
    sampled = run(xs, ys, zs, coef, feat)
    sampled = sampled.reshape(B, Npad, CT)[:, :N, :]
    return jnp.concatenate([inputs, sampled], axis=2)

# --- scband reference (transcript-rebuilt; emitter-appended) ---
"""Pipeline reference for scband-gprojection-70093866270806 (READ-ONLY COPY).

The authoritative reference and input builder live on the scoring server;
editing this copy changes nothing except your own understanding.
"""

import jax, jax.numpy as jnp
import numpy as np


def grid_sample_bilinear(img, grid):
    # img: [B, C, H, W]; grid: [B, N, 2] with (x, y) in [-1, 1]
    # Matches torch F.grid_sample(mode='bilinear', padding_mode='zeros', align_corners=False)
    B, C, H, W = img.shape
    x = grid[..., 0]
    y = grid[..., 1]
    ix = ((x + 1.0) * W - 1.0) / 2.0
    iy = ((y + 1.0) * H - 1.0) / 2.0
    ix0 = jnp.floor(ix)
    iy0 = jnp.floor(iy)
    ix1 = ix0 + 1.0
    iy1 = iy0 + 1.0
    wx1 = ix - ix0
    wx0 = 1.0 - wx1
    wy1 = iy - iy0
    wy0 = 1.0 - wy1
    flat = img.reshape(B, C, H * W)

    def corner(iyc, ixc, wgt):
        valid = (ixc >= 0) & (ixc <= W - 1) & (iyc >= 0) & (iyc <= H - 1)
        ii = jnp.clip(ixc, 0, W - 1).astype(jnp.int32)
        jj = jnp.clip(iyc, 0, H - 1).astype(jnp.int32)
        idx = jj * W + ii  # [B, N]
        vals = jnp.take_along_axis(flat, idx[:, None, :], axis=2)  # [B, C, N]
        return vals * (wgt * valid.astype(img.dtype))[:, None, :]

    out = (corner(iy0, ix0, wy0 * wx0) + corner(iy0, ix1, wy0 * wx1)
           + corner(iy1, ix0, wy1 * wx0) + corner(iy1, ix1, wy1 * wx1))
    return jnp.transpose(out, (0, 2, 1))  # [B, N, C]


def setup_inputs(seed: int = 0) -> dict:
    key = jax.random.key(seed)
    k1, k2, k3 = jax.random.split(key, 3)
    resolution = jnp.array([224.0, 224.0], dtype=jnp.float32)
    img_features = jax.random.normal(k1, (4, 4, 256, 56, 56), dtype=jnp.float32)
    inputs = jax.random.normal(k2, (4, 50000, 3), dtype=jnp.float32)
    base = jnp.array([[2000.0, 0.0, 960.0], [0.0, 2000.0, 960.0], [0.0, 0.0, 1.0]], dtype=jnp.float32)
    camK = base[None, :, :] * (1.0 + 0.05 * jax.random.normal(k3, (4, 3, 3), dtype=jnp.float32))
    return {"resolution": resolution, "img_features": img_features, "inputs": inputs, "camK": camK}


def reference(resolution, img_features, inputs, camK):
    mesh_pos = jnp.array([0.0, 0.0, -0.8], dtype=jnp.float32)
    half_resolution = (resolution - 1.0) / 2.0
    camK = camK * (256.0 / 1920.0)
    positions = inputs + mesh_pos
    z = positions[:, :, 2]  # bound=0 -> bound_val is identity
    w = (-camK[:, 0, 0:1] * positions[:, :, 0] - camK[:, 0, 1:2] * positions[:, :, 1]) / z + camK[:, 0, 2:3] - half_resolution[0]
    h = camK[:, 1, 1:2] * (positions[:, :, 1] / z) + camK[:, 1, 2:3] - half_resolution[1]
    w = w / half_resolution[0]
    h = h / half_resolution[1]
    w = jnp.clip(w, -1.0, 1.0)
    h = jnp.clip(h, -1.0, 1.0)
    grid = jnp.stack([w, h], axis=-1)  # [B, N, 2]
    feats = [inputs]
    for i in range(img_features.shape[0]):
        feats.append(grid_sample_bilinear(img_features[i], grid))
    return jnp.concatenate(feats, axis=2)

if __name__ == "__main__":
    import jax
    _d = setup_inputs()
    print(jax.jit(kernel)(*tuple(_d.values())))

</pallas_src>

<mosaic_0001>
#map = affine_map<(d0, d1) -> (0)>
#map1 = affine_map<(d0, d1) -> (0, 0)>
module attributes {stable_mosaic.version = 14 : i64} {
  func.func @body(%arg0: i32, %arg1: i32, %arg2: memref<200192xf32, #tpu.memory_space<hbm>>, %arg3: memref<200192xf32, #tpu.memory_space<hbm>>, %arg4: memref<200192xf32, #tpu.memory_space<hbm>>, %arg5: memref<64xf32, #tpu.memory_space<hbm>>, %arg6: memref<12544x1024xf32, #tpu.memory_space<hbm>>, %arg7: memref<200192x1024xf32, #tpu.memory_space<hbm>>, %arg8: memref<6256xf32, #tpu.memory_space<vmem>>, %arg9: memref<6256xf32, #tpu.memory_space<vmem>>, %arg10: memref<6256xf32, #tpu.memory_space<vmem>>, %arg11: memref<64xf32, #tpu.memory_space<vmem>>, %arg12: memref<64xi32, #tpu.memory_space<vmem>>, %arg13: memref<64x1024xf32, #tpu.memory_space<vmem>>, %arg14: memref<16x1024xf32, #tpu.memory_space<vmem>>, %arg15: memref<!tpu.dma_semaphore, #tpu.memory_space<semaphore_mem>>) attributes {dimension_semantics = [#tpu.dimension_semantics<core_parallel>, #tpu.dimension_semantics<subcore_parallel>], iteration_bounds = array<i64: 2, 16>, scalar_prefetch = 0 : i64, scratch_operands = 8 : i64, tpu.core_type = #tpu.core_type<sc_vector_subcore>, window_params = [{transform_indices = #map}, {transform_indices = #map}, {transform_indices = #map}, {transform_indices = #map}, {transform_indices = #map1}, {transform_indices = #map1}]} {
    %mul3A = arith.constant 2 : i32
    %mul3A_0 = arith.muli %arg1, %mul3A : i32
    %add3A = arith.addi %mul3A_0, %arg0 : i32
    %mul3A_1 = arith.constant 6256 : i32
    %mul3A_2 = arith.muli %add3A, %mul3A_1 : i32
    %jit3A = arith.constant 8 : i32
    %div3A = arith.divsi %add3A, %jit3A : i32
    %sign3A = arith.constant 0 : i32
    %sign3A_3 = arith.cmpi sgt, %add3A, %sign3A : i32
    %sign3A_4 = arith.extui %sign3A_3 : i1 to i32
    %sign3A_5 = arith.constant 0 : i32
    %sign3A_6 = arith.cmpi slt, %add3A, %sign3A_5 : i32
    %sign3A_7 = arith.extui %sign3A_6 : i1 to i32
    %sign3A_8 = arith.subi %sign3A_4, %sign3A_7 : i32
    %sign3A_9 = arith.constant 0 : i32
    %sign3A_10 = arith.cmpi sgt, %jit3A, %sign3A_9 : i32
    %sign3A_11 = arith.extui %sign3A_10 : i1 to i32
    %sign3A_12 = arith.constant 0 : i32
    %sign3A_13 = arith.cmpi slt, %jit3A, %sign3A_12 : i32
    %sign3A_14 = arith.extui %sign3A_13 : i1 to i32
    %sign3A_15 = arith.subi %sign3A_11, %sign3A_14 : i32
    %ne3A = arith.cmpi ne, %sign3A_8, %sign3A_15 : i32
    %rem3A = arith.remsi %add3A, %jit3A : i32
    %ne3A_16 = arith.constant 0 : i32
    %ne3A_17 = arith.cmpi ne, %rem3A, %ne3A_16 : i32
    %and3A = arith.andi %ne3A, %ne3A_17 : i1
    %sub3A = arith.constant 1 : i32
    %sub3A_18 = arith.subi %div3A, %sub3A : i32
    %select_n3A = arith.select %and3A, %sub3A_18, %div3A : i32
    "tpu.region"() ({
      %run_scoped3A = tpu.sem_alloc : memref<!tpu.dma_semaphore, #tpu.memory_space<semaphore_mem>>
      %dma_start3A = tpu.memref_slice %arg2[%mul3A_2] : memref<200192xf32, #tpu.memory_space<hbm>> -> memref<6256xf32, #tpu.memory_space<hbm>>
      %dma_start3A_52 = tpu.memref_slice %arg2[%mul3A_2] : memref<200192xf32, #tpu.memory_space<hbm>> -> memref<6256xf32, #tpu.memory_space<hbm>>
      tpu.enqueue_dma source(%dma_start3A_52 : memref<6256xf32, #tpu.memory_space<hbm>>) target(%arg8 : memref<6256xf32, #tpu.memory_space<vmem>>) target_semaphore(%run_scoped3A : memref<!tpu.dma_semaphore, #tpu.memory_space<semaphore_mem>>)
      %dma_wait3A = tpu.memref_slice %arg2[%mul3A_2] : memref<200192xf32, #tpu.memory_space<hbm>> -> memref<6256xf32, #tpu.memory_space<hbm>>
      %dma_wait3A_53 = tpu.memref_slice %arg2[%mul3A_2] : memref<200192xf32, #tpu.memory_space<hbm>> -> memref<6256xf32, #tpu.memory_space<hbm>>
      tpu.wait_dma2 semaphore(%run_scoped3A : memref<!tpu.dma_semaphore, #tpu.memory_space<semaphore_mem>>) src(%dma_wait3A_53 : memref<6256xf32, #tpu.memory_space<hbm>>) dst(%arg8 : memref<6256xf32, #tpu.memory_space<vmem>>)
      tpu.yield
    }) : () -> ()
    "tpu.region"() ({
      %run_scoped3A = tpu.sem_alloc : memref<!tpu.dma_semaphore, #tpu.memory_space<semaphore_mem>>
      %dma_start3A = tpu.memref_slice %arg3[%mul3A_2] : memref<200192xf32, #tpu.memory_space<hbm>> -> memref<6256xf32, #tpu.memory_space<hbm>>
      %dma_start3A_52 = tpu.memref_slice %arg3[%mul3A_2] : memref<200192xf32, #tpu.memory_space<hbm>> -> memref<6256xf32, #tpu.memory_space<hbm>>
      tpu.enqueue_dma source(%dma_start3A_52 : memref<6256xf32, #tpu.memory_space<hbm>>) target(%arg9 : memref<6256xf32, #tpu.memory_space<vmem>>) target_semaphore(%run_scoped3A : memref<!tpu.dma_semaphore, #tpu.memory_space<semaphore_mem>>)
      %dma_wait3A = tpu.memref_slice %arg3[%mul3A_2] : memref<200192xf32, #tpu.memory_space<hbm>> -> memref<6256xf32, #tpu.memory_space<hbm>>
      %dma_wait3A_53 = tpu.memref_slice %arg3[%mul3A_2] : memref<200192xf32, #tpu.memory_space<hbm>> -> memref<6256xf32, #tpu.memory_space<hbm>>
      tpu.wait_dma2 semaphore(%run_scoped3A : memref<!tpu.dma_semaphore, #tpu.memory_space<semaphore_mem>>) src(%dma_wait3A_53 : memref<6256xf32, #tpu.memory_space<hbm>>) dst(%arg9 : memref<6256xf32, #tpu.memory_space<vmem>>)
      tpu.yield
    }) : () -> ()
    "tpu.region"() ({
      %run_scoped3A = tpu.sem_alloc : memref<!tpu.dma_semaphore, #tpu.memory_space<semaphore_mem>>
      %dma_start3A = tpu.memref_slice %arg4[%mul3A_2] : memref<200192xf32, #tpu.memory_space<hbm>> -> memref<6256xf32, #tpu.memory_space<hbm>>
      %dma_start3A_52 = tpu.memref_slice %arg4[%mul3A_2] : memref<200192xf32, #tpu.memory_space<hbm>> -> memref<6256xf32, #tpu.memory_space<hbm>>
      tpu.enqueue_dma source(%dma_start3A_52 : memref<6256xf32, #tpu.memory_space<hbm>>) target(%arg10 : memref<6256xf32, #tpu.memory_space<vmem>>) target_semaphore(%run_scoped3A : memref<!tpu.dma_semaphore, #tpu.memory_space<semaphore_mem>>)
      %dma_wait3A = tpu.memref_slice %arg4[%mul3A_2] : memref<200192xf32, #tpu.memory_space<hbm>> -> memref<6256xf32, #tpu.memory_space<hbm>>
      %dma_wait3A_53 = tpu.memref_slice %arg4[%mul3A_2] : memref<200192xf32, #tpu.memory_space<hbm>> -> memref<6256xf32, #tpu.memory_space<hbm>>
      tpu.wait_dma2 semaphore(%run_scoped3A : memref<!tpu.dma_semaphore, #tpu.memory_space<semaphore_mem>>) src(%dma_wait3A_53 : memref<6256xf32, #tpu.memory_space<hbm>>) dst(%arg10 : memref<6256xf32, #tpu.memory_space<vmem>>)
      tpu.yield
    }) : () -> ()
    "tpu.region"() ({
      %run_scoped3A = tpu.sem_alloc : memref<!tpu.dma_semaphore, #tpu.memory_space<semaphore_mem>>
      tpu.enqueue_dma source(%arg5 : memref<64xf32, #tpu.memory_space<hbm>>) target(%arg11 : memref<64xf32, #tpu.memory_space<vmem>>) target_semaphore(%run_scoped3A : memref<!tpu.dma_semaphore, #tpu.memory_space<semaphore_mem>>)
      tpu.wait_dma2 semaphore(%run_scoped3A : memref<!tpu.dma_semaphore, #tpu.memory_space<semaphore_mem>>) src(%arg5 : memref<64xf32, #tpu.memory_space<hbm>>) dst(%arg11 : memref<64xf32, #tpu.memory_space<vmem>>)
      tpu.yield
    }) : () -> ()
    %mul3A_19 = arith.constant 16 : i32
    %mul3A_20 = arith.muli %select_n3A, %mul3A_19 : i32
    %get3A = arith.index_cast %mul3A_20 : i32 to index
    %get3A_21 = tpu.vector_load %arg11[%get3A] {strides = array<i32>} : memref<64xf32, #tpu.memory_space<vmem>>, vector<16xf32>,
    %broadcast_in_dim3A = arith.constant 0 : i32
    %broadcast_in_dim3A_22 = vector.broadcast %broadcast_in_dim3A : i32 to vector<16xi32>
    %broadcast_in_dim3A_23 = vector.shape_cast %broadcast_in_dim3A_22 : vector<16xi32> to vector<16x1xi32>
    %gather3A = vector.shape_cast %broadcast_in_dim3A_23 : vector<16x1xi32> to vector<16xi32>
    %gather3A_24 = tpu.dynamic_gather %get3A_21[%gather3A] in [0] : vector<16xf32>, vector<16xi32> -> vector<16xf32>
    %broadcast_in_dim3A_25 = arith.constant 1 : i32
    %broadcast_in_dim3A_26 = vector.broadcast %broadcast_in_dim3A_25 : i32 to vector<16xi32>
    %broadcast_in_dim3A_27 = vector.shape_cast %broadcast_in_dim3A_26 : vector<16xi32> to vector<16x1xi32>
    %gather3A_28 = vector.shape_cast %broadcast_in_dim3A_27 : vector<16x1xi32> to vector<16xi32>
    %gather3A_29 = tpu.dynamic_gather %get3A_21[%gather3A_28] in [0] : vector<16xf32>, vector<16xi32> -> vector<16xf32>
    %broadcast_in_dim3A_30 = arith.constant 2 : i32
    %broadcast_in_dim3A_31 = vector.broadcast %broadcast_in_dim3A_30 : i32 to vector<16xi32>
    %broadcast_in_dim3A_32 = vector.shape_cast %broadcast_in_dim3A_31 : vector<16xi32> to vector<16x1xi32>
    %gather3A_33 = vector.shape_cast %broadcast_in_dim3A_32 : vector<16x1xi32> to vector<16xi32>
    %gather3A_34 = tpu.dynamic_gather %get3A_21[%gather3A_33] in [0] : vector<16xf32>, vector<16xi32> -> vector<16xf32>
    %broadcast_in_dim3A_35 = arith.constant 3 : i32
    %broadcast_in_dim3A_36 = vector.broadcast %broadcast_in_dim3A_35 : i32 to vector<16xi32>
    %broadcast_in_dim3A_37 = vector.shape_cast %broadcast_in_dim3A_36 : vector<16xi32> to vector<16x1xi32>
    %gather3A_38 = vector.shape_cast %broadcast_in_dim3A_37 : vector<16x1xi32> to vector<16xi32>
    %gather3A_39 = tpu.dynamic_gather %get3A_21[%gather3A_38] in [0] : vector<16xf32>, vector<16xi32> -> vector<16xf32>
    %broadcast_in_dim3A_40 = arith.constant 4 : i32
    %broadcast_in_dim3A_41 = vector.broadcast %broadcast_in_dim3A_40 : i32 to vector<16xi32>
    %broadcast_in_dim3A_42 = vector.shape_cast %broadcast_in_dim3A_41 : vector<16xi32> to vector<16x1xi32>
    %gather3A_43 = vector.shape_cast %broadcast_in_dim3A_42 : vector<16x1xi32> to vector<16xi32>
    %gather3A_44 = tpu.dynamic_gather %get3A_21[%gather3A_43] in [0] : vector<16xf32>, vector<16xi32> -> vector<16xf32>
    %mul3A_45 = arith.constant 3136 : i32
    %mul3A_46 = arith.muli %select_n3A, %mul3A_45 : i32
    %scan3A = arith.constant 0 : i32
    %scan3A_47 = arith.constant 0 : i32
    %scan3A_48 = arith.constant 391 : i32
    %scan3A_49 = arith.addi %scan3A_47, %scan3A_48 : i32
    %scan3A_50 = arith.constant 1 : i32
    scf.for %scan3A_52 = %scan3A_47 to %scan3A_49 step %scan3A_50  : i32 {
      %mul3A_53 = arith.constant 16 : i32
      %mul3A_54 = arith.muli %scan3A_52, %mul3A_53 : i32
      %get3A_55 = arith.index_cast %mul3A_54 : i32 to index
      %get3A_56 = tpu.vector_load %arg8[%get3A_55] {strides = array<i32>} : memref<6256xf32, #tpu.memory_space<vmem>>, vector<16xf32>,
      %get3A_57 = arith.index_cast %mul3A_54 : i32 to index
      %get3A_58 = tpu.vector_load %arg9[%get3A_57] {strides = array<i32>} : memref<6256xf32, #tpu.memory_space<vmem>>, vector<16xf32>,
      %get3A_59 = arith.index_cast %mul3A_54 : i32 to index
      %get3A_60 = tpu.vector_load %arg10[%get3A_59] {strides = array<i32>} : memref<6256xf32, #tpu.memory_space<vmem>>, vector<16xf32>,
      %sub3A_61 = arith.constant 8.000000e-01 : f32
      %sub3A_62 = vector.broadcast %sub3A_61 : f32 to vector<16xf32>
      %sub3A_63 = arith.subf %get3A_60, %sub3A_62 : vector<16xf32>
      %mul3A_64 = arith.mulf %gather3A_24, %get3A_56 : vector<16xf32>
      %mul3A_65 = arith.mulf %gather3A_29, %get3A_58 : vector<16xf32>
      %add3A_66 = arith.addf %mul3A_64, %mul3A_65 : vector<16xf32>
      %div3A_67 = arith.divf %add3A_66, %sub3A_63 : vector<16xf32>
      %add3A_68 = arith.addf %div3A_67, %gather3A_34 : vector<16xf32>
      %mul3A_69 = arith.mulf %gather3A_39, %get3A_58 : vector<16xf32>
      %div3A_70 = arith.divf %mul3A_69, %sub3A_63 : vector<16xf32>
      %add3A_71 = arith.addf %div3A_70, %gather3A_44 : vector<16xf32>
      %max3A = arith.constant -1.000000e+00 : f32
      %max3A_72 = vector.broadcast %max3A : f32 to vector<16xf32>
      %max3A_73 = arith.maximumf %add3A_68, %max3A_72 : vector<16xf32>
      %min3A = arith.constant 1.000000e+00 : f32
      %min3A_74 = vector.broadcast %min3A : f32 to vector<16xf32>
      %min3A_75 = arith.minimumf %max3A_73, %min3A_74 : vector<16xf32>
      %max3A_76 = arith.constant -1.000000e+00 : f32
      %max3A_77 = vector.broadcast %max3A_76 : f32 to vector<16xf32>
      %max3A_78 = arith.maximumf %add3A_71, %max3A_77 : vector<16xf32>
      %min3A_79 = arith.constant 1.000000e+00 : f32
      %min3A_80 = vector.broadcast %min3A_79 : f32 to vector<16xf32>
      %min3A_81 = arith.minimumf %max3A_78, %min3A_80 : vector<16xf32>
      %add3A_82 = arith.constant 1.000000e+00 : f32
      %add3A_83 = vector.broadcast %add3A_82 : f32 to vector<16xf32>
      %add3A_84 = arith.addf %min3A_75, %add3A_83 : vector<16xf32>
      %mul3A_85 = arith.constant 5.600000e+01 : f32
      %mul3A_86 = vector.broadcast %mul3A_85 : f32 to vector<16xf32>
      %mul3A_87 = arith.mulf %add3A_84, %mul3A_86 : vector<16xf32>
      %sub3A_88 = arith.constant 1.000000e+00 : f32
      %sub3A_89 = vector.broadcast %sub3A_88 : f32 to vector<16xf32>
      %sub3A_90 = arith.subf %mul3A_87, %sub3A_89 : vector<16xf32>
      %mul3A_91 = arith.constant 5.000000e-01 : f32
      %mul3A_92 = vector.broadcast %mul3A_91 : f32 to vector<16xf32>
      %mul3A_93 = arith.mulf %sub3A_90, %mul3A_92 : vector<16xf32>
      %add3A_94 = arith.constant 1.000000e+00 : f32
      %add3A_95 = vector.broadcast %add3A_94 : f32 to vector<16xf32>
      %add3A_96 = arith.addf %min3A_81, %add3A_95 : vector<16xf32>
      %mul3A_97 = arith.constant 5.600000e+01 : f32
      %mul3A_98 = vector.broadcast %mul3A_97 : f32 to vector<16xf32>
      %mul3A_99 = arith.mulf %add3A_96, %mul3A_98 : vector<16xf32>
      %sub3A_100 = arith.constant 1.000000e+00 : f32
      %sub3A_101 = vector.broadcast %sub3A_100 : f32 to vector<16xf32>
      %sub3A_102 = arith.subf %mul3A_99, %sub3A_101 : vector<16xf32>
      %mul3A_103 = arith.constant 5.000000e-01 : f32
      %mul3A_104 = vector.broadcast %mul3A_103 : f32 to vector<16xf32>
      %mul3A_105 = arith.mulf %sub3A_102, %mul3A_104 : vector<16xf32>
      %convert_element_type3A = arith.fptosi %mul3A_93 : vector<16xf32> to vector<16xi32>
      %convert_element_type3A_106 = arith.sitofp %convert_element_type3A : vector<16xi32> to vector<16xf32>
      %gt3A = arith.cmpf ogt, %convert_element_type3A_106, %mul3A_93 : vector<16xf32>
      %convert_element_type3A_107 = arith.extui %gt3A : vector<16xi1> to vector<16xi32>
      %sub3A_108 = arith.subi %convert_element_type3A, %convert_element_type3A_107 : vector<16xi32>
      %convert_element_type3A_109 = arith.fptosi %mul3A_105 : vector<16xf32> to vector<16xi32>
      %convert_element_type3A_110 = arith.sitofp %convert_element_type3A_109 : vector<16xi32> to vector<16xf32>
      %gt3A_111 = arith.cmpf ogt, %convert_element_type3A_110, %mul3A_105 : vector<16xf32>
      %convert_element_type3A_112 = arith.extui %gt3A_111 : vector<16xi1> to vector<16xi32>
      %sub3A_113 = arith.subi %convert_element_type3A_109, %convert_element_type3A_112 : vector<16xi32>
      %convert_element_type3A_114 = arith.sitofp %sub3A_108 : vector<16xi32> to vector<16xf32>
      %sub3A_115 = arith.subf %mul3A_93, %convert_element_type3A_114 : vector<16xf32>
      %sub3A_116 = arith.constant 1.000000e+00 : f32
      %sub3A_117 = vector.broadcast %sub3A_116 : f32 to vector<16xf32>
      %sub3A_118 = arith.subf %sub3A_117, %sub3A_115 : vector<16xf32>
      %convert_element_type3A_119 = arith.sitofp %sub3A_113 : vector<16xi32> to vector<16xf32>
      %sub3A_120 = arith.subf %mul3A_105, %convert_element_type3A_119 : vector<16xf32>
      %sub3A_121 = arith.constant 1.000000e+00 : f32
      %sub3A_122 = vector.broadcast %sub3A_121 : f32 to vector<16xf32>
      %sub3A_123 = arith.subf %sub3A_122, %sub3A_120 : vector<16xf32>
      %add3A_124 = arith.constant 1 : i32
      %add3A_125 = vector.broadcast %add3A_124 : i32 to vector<16xi32>
      %add3A_126 = arith.addi %sub3A_108, %add3A_125 : vector<16xi32>
      %add3A_127 = arith.constant 1 : i32
      %add3A_128 = vector.broadcast %add3A_127 : i32 to vector<16xi32>
      %add3A_129 = arith.addi %sub3A_113, %add3A_128 : vector<16xi32>
      %broadcast_in_dim3A_130 = arith.constant 0 : i32
      %broadcast_in_dim3A_131 = vector.broadcast %broadcast_in_dim3A_130 : i32 to vector<16xi32>
      %broadcast_in_dim3A_132 = arith.constant 55 : i32
      %broadcast_in_dim3A_133 = vector.broadcast %broadcast_in_dim3A_132 : i32 to vector<16xi32>
      %ge3A = arith.constant 0 : i32
      %ge3A_134 = vector.broadcast %ge3A : i32 to vector<16xi32>
      %ge3A_135 = arith.cmpi sge, %sub3A_108, %ge3A_134 : vector<16xi32>
      %le3A = arith.constant 55 : i32
      %le3A_136 = vector.broadcast %le3A : i32 to vector<16xi32>
      %le3A_137 = arith.cmpi sle, %sub3A_108, %le3A_136 : vector<16xi32>
      %and3A_138 = arith.andi %ge3A_135, %le3A_137 : vector<16xi1>
      %convert_element_type3A_139 = arith.extui %and3A_138 : vector<16xi1> to vector<16xi32>
      %convert_element_type3A_140 = arith.sitofp %convert_element_type3A_139 : vector<16xi32> to vector<16xf32>
      %ge3A_141 = arith.constant 0 : i32
      %ge3A_142 = vector.broadcast %ge3A_141 : i32 to vector<16xi32>
      %ge3A_143 = arith.cmpi sge, %add3A_126, %ge3A_142 : vector<16xi32>
      %le3A_144 = arith.constant 55 : i32
      %le3A_145 = vector.broadcast %le3A_144 : i32 to vector<16xi32>
      %le3A_146 = arith.cmpi sle, %add3A_126, %le3A_145 : vector<16xi32>
      %and3A_147 = arith.andi %ge3A_143, %le3A_146 : vector<16xi1>
      %convert_element_type3A_148 = arith.extui %and3A_147 : vector<16xi1> to vector<16xi32>
      %convert_element_type3A_149 = arith.sitofp %convert_element_type3A_148 : vector<16xi32> to vector<16xf32>
      %ge3A_150 = arith.constant 0 : i32
      %ge3A_151 = vector.broadcast %ge3A_150 : i32 to vector<16xi32>
      %ge3A_152 = arith.cmpi sge, %sub3A_113, %ge3A_151 : vector<16xi32>
      %le3A_153 = arith.constant 55 : i32
      %le3A_154 = vector.broadcast %le3A_153 : i32 to vector<16xi32>
      %le3A_155 = arith.cmpi sle, %sub3A_113, %le3A_154 : vector<16xi32>
      %and3A_156 = arith.andi %ge3A_152, %le3A_155 : vector<16xi1>
      %convert_element_type3A_157 = arith.extui %and3A_156 : vector<16xi1> to vector<16xi32>
      %convert_element_type3A_158 = arith.sitofp %convert_element_type3A_157 : vector<16xi32> to vector<16xf32>
      %ge3A_159 = arith.constant 0 : i32
      %ge3A_160 = vector.broadcast %ge3A_159 : i32 to vector<16xi32>
      %ge3A_161 = arith.cmpi sge, %add3A_129, %ge3A_160 : vector<16xi32>
      %le3A_162 = arith.constant 55 : i32
      %le3A_163 = vector.broadcast %le3A_162 : i32 to vector<16xi32>
      %le3A_164 = arith.cmpi sle, %add3A_129, %le3A_163 : vector<16xi32>
      %and3A_165 = arith.andi %ge3A_161, %le3A_164 : vector<16xi1>
      %convert_element_type3A_166 = arith.extui %and3A_165 : vector<16xi1> to vector<16xi32>
      %convert_element_type3A_167 = arith.sitofp %convert_element_type3A_166 : vector<16xi32> to vector<16xf32>
      %max3A_168 = arith.maxsi %sub3A_108, %broadcast_in_dim3A_131 : vector<16xi32>
      %min3A_169 = arith.minsi %max3A_168, %broadcast_in_dim3A_133 : vector<16xi32>
      %max3A_170 = arith.maxsi %add3A_126, %broadcast_in_dim3A_131 : vector<16xi32>
      %min3A_171 = arith.minsi %max3A_170, %broadcast_in_dim3A_133 : vector<16xi32>
      %max3A_172 = arith.maxsi %sub3A_113, %broadcast_in_dim3A_131 : vector<16xi32>
      %min3A_173 = arith.minsi %max3A_172, %broadcast_in_dim3A_133 : vector<16xi32>
      %max3A_174 = arith.maxsi %add3A_129, %broadcast_in_dim3A_131 : vector<16xi32>
      %min3A_175 = arith.minsi %max3A_174, %broadcast_in_dim3A_133 : vector<16xi32>
      %mul3A_176 = arith.constant 56 : i32
      %mul3A_177 = vector.broadcast %mul3A_176 : i32 to vector<16xi32>
      %mul3A_178 = arith.muli %min3A_173, %mul3A_177 : vector<16xi32>
      %add3A_179 = vector.broadcast %mul3A_46 : i32 to vector<16xi32>
      %add3A_180 = arith.addi %add3A_179, %mul3A_178 : vector<16xi32>
      %add3A_181 = arith.addi %add3A_180, %min3A_169 : vector<16xi32>
      %swap3A = arith.constant 0 : index
      %swap3A_182 = tpu.vector_load %arg12[%swap3A] {strides = array<i32>} : memref<64xi32, #tpu.memory_space<vmem>>, vector<16xi32>,
      tpu.vector_store %arg12[%swap3A], %add3A_181 {strides = array<i32>} : memref<64xi32, #tpu.memory_space<vmem>>, vector<16xi32>,
      %mul3A_183 = arith.constant 56 : i32
      %mul3A_184 = vector.broadcast %mul3A_183 : i32 to vector<16xi32>
      %mul3A_185 = arith.muli %min3A_173, %mul3A_184 : vector<16xi32>
      %add3A_186 = vector.broadcast %mul3A_46 : i32 to vector<16xi32>
      %add3A_187 = arith.addi %add3A_186, %mul3A_185 : vector<16xi32>
      %add3A_188 = arith.addi %add3A_187, %min3A_171 : vector<16xi32>
      %swap3A_189 = arith.constant 16 : index
      %swap3A_190 = tpu.vector_load %arg12[%swap3A_189] {strides = array<i32>} : memref<64xi32, #tpu.memory_space<vmem>>, vector<16xi32>,
      tpu.vector_store %arg12[%swap3A_189], %add3A_188 {strides = array<i32>} : memref<64xi32, #tpu.memory_space<vmem>>, vector<16xi32>,
      %mul3A_191 = arith.constant 56 : i32
      %mul3A_192 = vector.broadcast %mul3A_191 : i32 to vector<16xi32>
      %mul3A_193 = arith.muli %min3A_175, %mul3A_192 : vector<16xi32>
      %add3A_194 = vector.broadcast %mul3A_46 : i32 to vector<16xi32>
      %add3A_195 = arith.addi %add3A_194, %mul3A_193 : vector<16xi32>
      %add3A_196 = arith.addi %add3A_195, %min3A_169 : vector<16xi32>
      %swap3A_197 = arith.constant 32 : index
      %swap3A_198 = tpu.vector_load %arg12[%swap3A_197] {strides = array<i32>} : memref<64xi32, #tpu.memory_space<vmem>>, vector<16xi32>,
      tpu.vector_store %arg12[%swap3A_197], %add3A_196 {strides = array<i32>} : memref<64xi32, #tpu.memory_space<vmem>>, vector<16xi32>,
      %mul3A_199 = arith.constant 56 : i32
      %mul3A_200 = vector.broadcast %mul3A_199 : i32 to vector<16xi32>
      %mul3A_201 = arith.muli %min3A_175, %mul3A_200 : vector<16xi32>
      %add3A_202 = vector.broadcast %mul3A_46 : i32 to vector<16xi32>
      %add3A_203 = arith.addi %add3A_202, %mul3A_201 : vector<16xi32>
      %add3A_204 = arith.addi %add3A_203, %min3A_171 : vector<16xi32>
      %swap3A_205 = arith.constant 48 : index
      %swap3A_206 = tpu.vector_load %arg12[%swap3A_205] {strides = array<i32>} : memref<64xi32, #tpu.memory_space<vmem>>, vector<16xi32>,
      tpu.vector_store %arg12[%swap3A_205], %add3A_204 {strides = array<i32>} : memref<64xi32, #tpu.memory_space<vmem>>, vector<16xi32>,
      %mul3A_207 = arith.mulf %sub3A_123, %sub3A_118 : vector<16xf32>
      %mul3A_208 = arith.mulf %mul3A_207, %convert_element_type3A_158 : vector<16xf32>
      %mul3A_209 = arith.mulf %mul3A_208, %convert_element_type3A_140 : vector<16xf32>
      %mul3A_210 = arith.mulf %sub3A_123, %sub3A_115 : vector<16xf32>
      %mul3A_211 = arith.mulf %mul3A_210, %convert_element_type3A_158 : vector<16xf32>
      %mul3A_212 = arith.mulf %mul3A_211, %convert_element_type3A_149 : vector<16xf32>
      %mul3A_213 = arith.mulf %sub3A_120, %sub3A_118 : vector<16xf32>
      %mul3A_214 = arith.mulf %mul3A_213, %convert_element_type3A_167 : vector<16xf32>
      %mul3A_215 = arith.mulf %mul3A_214, %convert_element_type3A_140 : vector<16xf32>
      %mul3A_216 = arith.mulf %sub3A_120, %sub3A_115 : vector<16xf32>
      %mul3A_217 = arith.mulf %mul3A_216, %convert_element_type3A_167 : vector<16xf32>
      %mul3A_218 = arith.mulf %mul3A_217, %convert_element_type3A_149 : vector<16xf32>
      %dma_start3A = arith.constant 0 : i32
      %dma_start3A_219 = arith.constant 0 : i32
      %dma_start3A_220 = tpu.memref_slice %arg6[%dma_start3A, %dma_start3A_219] : memref<12544x1024xf32, #tpu.memory_space<hbm>> -> memref<12544x1024xf32, #tpu.memory_space<hbm>>
      tpu.enqueue_indirect_dma source(%dma_start3A_220 : memref<12544x1024xf32, #tpu.memory_space<hbm>>) target(%arg13 : memref<64x1024xf32, #tpu.memory_space<vmem>>) offsets(%arg12 : memref<64xi32, #tpu.memory_space<vmem>>) semaphore(%arg15 : memref<!tpu.dma_semaphore, #tpu.memory_space<semaphore_mem>>)
      %dma_wait3A = arith.constant 0 : i32
      %dma_wait3A_221 = arith.constant 0 : i32
      %dma_wait3A_222 = tpu.memref_slice %arg6[%dma_wait3A, %dma_wait3A_221] : memref<12544x1024xf32, #tpu.memory_space<hbm>> -> memref<12544x1024xf32, #tpu.memory_space<hbm>>
      tpu.wait_indirect_dma semaphore(%arg15 : memref<!tpu.dma_semaphore, #tpu.memory_space<semaphore_mem>>) src(%dma_wait3A_222 : memref<12544x1024xf32, #tpu.memory_space<hbm>>) dst(%arg13 : memref<64x1024xf32, #tpu.memory_space<vmem>>)
      %scan3A_223 = arith.constant 0 : i32
      %scan3A_224 = arith.constant 0 : i32
      %scan3A_225 = arith.constant 16 : i32
      %scan3A_226 = arith.addi %scan3A_224, %scan3A_225 : i32
      %scan3A_227 = arith.constant 1 : i32
      scf.for %scan3A_230 = %scan3A_224 to %scan3A_226 step %scan3A_227  : i32 {
        %broadcast_in_dim3A_231 = arith.constant 0 : i32
        %broadcast_in_dim3A_232 = vector.broadcast %broadcast_in_dim3A_231 : i32 to vector<16xi32>
        %add3A_233 = vector.broadcast %scan3A_230 : i32 to vector<16xi32>
        %add3A_234 = arith.addi %broadcast_in_dim3A_232, %add3A_233 : vector<16xi32>
        %broadcast_in_dim3A_235 = vector.shape_cast %add3A_234 : vector<16xi32> to vector<16x1xi32>
        %gather3A_236 = vector.shape_cast %broadcast_in_dim3A_235 : vector<16x1xi32> to vector<16xi32>
        %gather3A_237 = tpu.dynamic_gather %mul3A_209[%gather3A_236] in [0] : vector<16xf32>, vector<16xi32> -> vector<16xf32>
        %broadcast_in_dim3A_238 = vector.shape_cast %add3A_234 : vector<16xi32> to vector<16x1xi32>
        %gather3A_239 = vector.shape_cast %broadcast_in_dim3A_238 : vector<16x1xi32> to vector<16xi32>
        %gather3A_240 = tpu.dynamic_gather %mul3A_212[%gather3A_239] in [0] : vector<16xf32>, vector<16xi32> -> vector<16xf32>
        %broadcast_in_dim3A_241 = vector.shape_cast %add3A_234 : vector<16xi32> to vector<16x1xi32>
        %gather3A_242 = vector.shape_cast %broadcast_in_dim3A_241 : vector<16x1xi32> to vector<16xi32>
        %gather3A_243 = tpu.dynamic_gather %mul3A_215[%gather3A_242] in [0] : vector<16xf32>, vector<16xi32> -> vector<16xf32>
        %broadcast_in_dim3A_244 = vector.shape_cast %add3A_234 : vector<16xi32> to vector<16x1xi32>
        %gather3A_245 = vector.shape_cast %broadcast_in_dim3A_244 : vector<16x1xi32> to vector<16xi32>
        %gather3A_246 = tpu.dynamic_gather %mul3A_218[%gather3A_245] in [0] : vector<16xf32>, vector<16xi32> -> vector<16xf32>
        %parallel_loop3A = arith.constant 0 : i32
        %parallel_loop3A_247 = arith.constant 64 : i32
        %parallel_loop3A_248 = arith.constant 1 : i32
        scf.for %parallel_loop3A_249 = %parallel_loop3A to %parallel_loop3A_247 step %parallel_loop3A_248  : i32 {
          %parallel_loop3A_250 = arith.constant 16 : i32
          %parallel_loop3A_251 = arith.muli %parallel_loop3A_249, %parallel_loop3A_250 : i32
          %parallel_loop3A_252 = arith.index_cast %scan3A_230 : i32 to index
          %parallel_loop3A_253 = arith.index_cast %parallel_loop3A_251 : i32 to index
          %parallel_loop3A_254 = tpu.vector_load %arg13[%parallel_loop3A_252, %parallel_loop3A_253] {strides = array<i32>} : memref<64x1024xf32, #tpu.memory_space<vmem>>, vector<16xf32>,
          %parallel_loop3A_255 = arith.mulf %gather3A_237, %parallel_loop3A_254 : vector<16xf32>
          %parallel_loop3A_256 = arith.constant 16 : i32
          %parallel_loop3A_257 = arith.addi %scan3A_230, %parallel_loop3A_256 : i32
          %parallel_loop3A_258 = arith.index_cast %parallel_loop3A_257 : i32 to index
          %parallel_loop3A_259 = arith.index_cast %parallel_loop3A_251 : i32 to index
          %parallel_loop3A_260 = tpu.vector_load %arg13[%parallel_loop3A_258, %parallel_loop3A_259] {strides = array<i32>} : memref<64x1024xf32, #tpu.memory_space<vmem>>, vector<16xf32>,
          %parallel_loop3A_261 = arith.mulf %gather3A_240, %parallel_loop3A_260 : vector<16xf32>
          %parallel_loop3A_262 = arith.addf %parallel_loop3A_255, %parallel_loop3A_261 : vector<16xf32>
          %parallel_loop3A_263 = arith.constant 32 : i32
          %parallel_loop3A_264 = arith.addi %scan3A_230, %parallel_loop3A_263 : i32
          %parallel_loop3A_265 = arith.index_cast %parallel_loop3A_264 : i32 to index
          %parallel_loop3A_266 = arith.index_cast %parallel_loop3A_251 : i32 to index
          %parallel_loop3A_267 = tpu.vector_load %arg13[%parallel_loop3A_265, %parallel_loop3A_266] {strides = array<i32>} : memref<64x1024xf32, #tpu.memory_space<vmem>>, vector<16xf32>,
          %parallel_loop3A_268 = arith.mulf %gather3A_243, %parallel_loop3A_267 : vector<16xf32>
          %parallel_loop3A_269 = arith.addf %parallel_loop3A_262, %parallel_loop3A_268 : vector<16xf32>
          %parallel_loop3A_270 = arith.constant 48 : i32
          %parallel_loop3A_271 = arith.addi %scan3A_230, %parallel_loop3A_270 : i32
          %parallel_loop3A_272 = arith.index_cast %parallel_loop3A_271 : i32 to index
          %parallel_loop3A_273 = arith.index_cast %parallel_loop3A_251 : i32 to index
          %parallel_loop3A_274 = tpu.vector_load %arg13[%parallel_loop3A_272, %parallel_loop3A_273] {strides = array<i32>} : memref<64x1024xf32, #tpu.memory_space<vmem>>, vector<16xf32>,
          %parallel_loop3A_275 = arith.mulf %gather3A_246, %parallel_loop3A_274 : vector<16xf32>
          %parallel_loop3A_276 = arith.addf %parallel_loop3A_269, %parallel_loop3A_275 : vector<16xf32>
          %parallel_loop3A_277 = arith.index_cast %scan3A_230 : i32 to index
          %parallel_loop3A_278 = arith.index_cast %parallel_loop3A_251 : i32 to index
          %parallel_loop3A_279 = tpu.vector_load %arg14[%parallel_loop3A_277, %parallel_loop3A_278] {strides = array<i32>} : memref<16x1024xf32, #tpu.memory_space<vmem>>, vector<16xf32>,
          tpu.vector_store %arg14[%parallel_loop3A_277, %parallel_loop3A_278], %parallel_loop3A_276 {strides = array<i32>} : memref<16x1024xf32, #tpu.memory_space<vmem>>, vector<16xf32>,
        } {sc.loop_unroll_factor = 4 : i64, sc.parallel_access}
      }
      %scan3A_228 = arith.constant 16 : i32
      %add3A_229 = arith.addi %mul3A_2, %mul3A_54 : i32
      "tpu.region"() ({
        %run_scoped3A = tpu.sem_alloc : memref<!tpu.dma_semaphore, #tpu.memory_space<semaphore_mem>>
        %dma_start3A_230 = arith.constant 0 : i32
        %dma_start3A_231 = tpu.memref_slice %arg7[%add3A_229, %dma_start3A_230] : memref<200192x1024xf32, #tpu.memory_space<hbm>> -> memref<16x1024xf32, #tpu.memory_space<hbm>>
        %dma_start3A_232 = arith.constant 0 : i32
        %dma_start3A_233 = tpu.memref_slice %arg7[%add3A_229, %dma_start3A_232] : memref<200192x1024xf32, #tpu.memory_space<hbm>> -> memref<16x1024xf32, #tpu.memory_space<hbm>>
        tpu.enqueue_dma source(%arg14 : memref<16x1024xf32, #tpu.memory_space<vmem>>) target(%dma_start3A_233 : memref<16x1024xf32, #tpu.memory_space<hbm>>) target_semaphore(%run_scoped3A : memref<!tpu.dma_semaphore, #tpu.memory_space<semaphore_mem>>)
        %dma_wait3A_234 = arith.constant 0 : i32
        %dma_wait3A_235 = tpu.memref_slice %arg7[%add3A_229, %dma_wait3A_234] : memref<200192x1024xf32, #tpu.memory_space<hbm>> -> memref<16x1024xf32, #tpu.memory_space<hbm>>
        %dma_wait3A_236 = arith.constant 0 : i32
        %dma_wait3A_237 = tpu.memref_slice %arg7[%add3A_229, %dma_wait3A_236] : memref<200192x1024xf32, #tpu.memory_space<hbm>> -> memref<16x1024xf32, #tpu.memory_space<hbm>>
        tpu.wait_dma2 semaphore(%run_scoped3A : memref<!tpu.dma_semaphore, #tpu.memory_space<semaphore_mem>>) src(%arg14 : memref<16x1024xf32, #tpu.memory_space<vmem>>) dst(%dma_wait3A_237 : memref<16x1024xf32, #tpu.memory_space<hbm>>)
        tpu.yield
      }) : () -> ()
    }
    %scan3A_51 = arith.constant 391 : i32
    return
  }
}

</mosaic_0001>

<sc_bundles>
// kernel: kernel.3.cloned.1.call-start
scs
__scs_entry_jumppad:
0x0: {  	(pc) =	sbr.rel $0x88, $3  }
0x1: {  	(tag) =	ssettag $0x0;
	lr =	simm.s32 $0x1  }
0x2: {  	[smem:$0x3F9D] =	sst lr;
	_ =	strace $0xD0000000  }
0x3: {  	_ = 	snop  }
0x4: {  	_ = 	snop  }
0x5: {  	_ = 	snop  }
0x6: {  	_ = 	snop  }
0x7: {  	_ = 	snop  }
__scs_overlays_trampoline_lowered:
0x8: {  	[smem:$0x3FAC] =	sst s0  }
0x9: {  	[smem:$0x3FAD] =	sst s1  }
0xa: {  	[smem:$0x3FAE] =	sst s2  }
0xb: {  	[smem:$0x3FAF] =	sst s3  }
0xc: {  	[smem:$0x3FB0] =	sst s4  }
0xd: {  	[smem:$0x3FB1] =	sst s5  }
0xe: {  	[smem:$0x3FB2] =	sst s6  }
0xf: {  	[smem:$0x3FB3] =	sst s7  }
0x10: {  	[smem:$0x3FB4] =	sst s8  }
0x11: {  	[smem:$0x3FB5] =	sst s9;
	s0 =	simm.s32 @!p0 $0x0  }
0x12: {  	s1 =	sld [smem:$0x3F9B];
	s0 =	simm.s32 @p0 $0x1  }
0x13: {  	[smem:$0x3FB6] =	sst s0;
	s0 =	simm.s32 @!p1 $0x0  }
0x14: {  	s2 =	sld [smem:$0x3F9A];
	s0 =	simm.s32 @p1 $0x1  }
0x15: {  	[smem:$0x3FB7] =	sst s0;
	s0 =	simm.s32 @!p2 $0x0  }
0x16: {  	s3 =	sld [smem:$0x3FDB];
	s0 =	simm.s32 @p2 $0x1  }
0x17: {  	s4 =	simm.s32 $0x1BF5;
	[smem:$0x3FB9] =	sst s0  }
0x18: {  	s0 =	sld [smem:$0x3F9C];
	_ =	swait.ge [sflag:s4], $0x0  }
0x19: {  	s7 =	sld [smem:$0x3F9D]  }
0x1a: {  	s8 =	sadd.s32 $0xFFFFE003, lr  }
0x1b: {  	s9 =	sadd.s32 $0xFFFFFEF7, lr;
	s5 =	simm.s32 $0xFFFFFFFF;
	p2 =	slt.u32 s8, $0xFFFFF086  }
0x1c: {  	p1 =	slt.u32 s9, $0xF7A;
	s5 =	simm.s32 @!p2 $0x0  }
0x1d: {  	s5 =	simm.s32 @p1 $0x1;
	p0 =	seq.s32 s7, s2  }
0x1e: {  	s7 =	smul.u32 @!p0 $0xF7A, s2;
	p2 =	seq.s32 @!p0 s5, $0x0  }
0x1f: {  	s9 =	smul.u32 $0xF7A, s1;
	s8 =	simm.s32 @!p0 $0x1BF5;
	p2 =	por !p2, p0  }
0x20: {  	[sflag:s8] =	ssyncset.s32 @!p0 $0xFFFFF086;
	s6 =	sadd.s32 @!p0 s3, s7;
	s7 =	simm.s32 @!p0 $0x108  }
0x21: {  	s3 =	sadd.s32 s3, s9;
	s6 =	sadd.s32 @!p0 $0x88, s6;
	s7 =	simm.s32 @p2 $0x1082  }
0x22: {  	[simem:s7], [sflag:s8] =	dma.local @!p0 [hbm:s6], $0xF7A  }
0x23: {  	s9 =	sor.u32 $0xD0000000, s2;
	s6 =	simm.s32 $0x108;
	_ =	swait.ge @!p0 [sflag:s8], $0x0  }
0x24: {  	s3 =	sadd.s32 $0x88, s3;
	s6 =	simm.s32 @!p1 $0x1082;
	[sflag:s4] =	ssyncset.s32 $0xFFFFF086  }
0x25: {  	[simem:s6], [sflag:s4] =	dma.local [hbm:s3], $0xF7A  }
0x26: {  	[smem:$0x3F9D] =	sst s1;
	(tag) =	ssettag s2;
	_ =	strace s9  }
0x27: {  	s1 =	sld [smem:$0x3FAD]  }
0x28: {  	s2 =	sld [smem:$0x3FAE]  }
0x29: {  	s4 =	sld [smem:$0x3FB0]  }
0x2a: {  	p0 =	seq.s32 s5, $0x0;
	s5 =	sld [smem:$0x3FB1]  }
0x2b: {  	s6 =	sld [smem:$0x3FB2]  }
0x2c: {  	s7 =	sld [smem:$0x3FB3]  }
0x2d: {  	s3 =	simm.s32 $0x108;
	s8 =	sld [smem:$0x3FB4]  }
0x2e: {  	s3 =	simm.s32 @!p0 $0x1082;
	s9 =	sld [smem:$0x3FB5]  }
0x2f: {  	lr =	sadd.s32 s0, s3;
	s0 =	sld [smem:$0x3FAC]  }
0x30: {  	s3 =	sld [smem:$0x3FAF]  }
0x31: {  	[smem:$0x3FB8] =	sst s10  }
0x32: {  	s10 =	sld [smem:$0x3FB6];
	_ =	sdelay $0x3  }
0x33: {  	p0 =	seq.s32 s10, $0x1;
	s10 =	sld [smem:$0x3FB8];
	_ =	sdelay $0x3  }
0x34: {  	[smem:$0x3FB8] =	sst s10  }
0x35: {  	s10 =	sld [smem:$0x3FB7];
	_ =	sdelay $0x3  }
0x36: {  	p1 =	seq.s32 s10, $0x1;
	s10 =	sld [smem:$0x3FB8];
	_ =	sdelay $0x3  }
0x37: {  	[smem:$0x3FB8] =	sst s10  }
0x38: {  	s10 =	sld [smem:$0x3FB9]  }
0x39: {  	_ = 	snop;
	(pc) =	sbr.ind lr, $3  }
0x3a: {  	_ = 	snop  }
0x3b: {  	_ = 	snop  }
0x3c: {  	p2 =	seq.s32 s10, $0x1;
	s10 =	sld [smem:$0x3FB8]  }
0x3d: {  	_ =	shalt  }
0x3e: {  	_ =	shalt  }
0x3f: {  	_ =	shalt  }
0x40: {  	_ =	shalt  }
0x41: {  	_ =	shalt  }
0x42: {  	_ =	shalt  }
0x43: {  	_ =	shalt  }
0x44: {  	_ =	shalt  }
0x45: {  	_ =	shalt  }
0x46: {  	_ =	shalt  }
0x47: {  	_ =	shalt  }
0x48: {  	_ =	shalt  }
0x49: {  	_ =	shalt  }
0x4a: {  	_ =	shalt  }
0x4b: {  	_ =	shalt  }
0x4c: {  	_ =	shalt  }
0x4d: {  	_ =	shalt  }
0x4e: {  	_ =	shalt  }
0x4f: {  	_ =	shalt  }
0x50: {  	_ =	shalt  }
0x51: {  	_ =	shalt  }
0x52: {  	_ =	shalt  }
0x53: {  	_ =	shalt  }
0x54: {  	_ =	shalt  }
0x55: {  	_ =	shalt  }
0x56: {  	_ =	shalt  }
0x57: {  	_ =	shalt  }
0x58: {  	_ =	shalt  }
0x59: {  	_ =	shalt  }
0x5a: {  	_ =	shalt  }
0x5b: {  	_ =	shalt  }
0x5c: {  	_ =	shalt  }
0x5d: {  	_ =	shalt  }
0x5e: {  	_ =	shalt  }
0x5f: {  	_ =	shalt  }
0x60: {  	_ =	shalt  }
0x61: {  	_ =	shalt  }
0x62: {  	_ =	shalt  }
0x63: {  	_ =	shalt  }
0x64: {  	_ =	shalt  }
0x65: {  	_ =	shalt  }
0x66: {  	_ =	shalt  }
0x67: {  	_ =	shalt  }
0x68: {  	_ =	shalt  }
0x69: {  	_ =	shalt  }
0x6a: {  	_ =	shalt  }
0x6b: {  	_ =	shalt  }
0x6c: {  	_ =	shalt  }
0x6d: {  	_ =	shalt  }
0x6e: {  	_ =	shalt  }
0x6f: {  	_ =	shalt  }
0x70: {  	_ =	shalt  }
0x71: {  	_ =	shalt  }
0x72: {  	_ =	shalt  }
0x73: {  	_ =	shalt  }
0x74: {  	_ =	shalt  }
0x75: {  	_ =	shalt  }
0x76: {  	_ =	shalt  }
0x77: {  	_ =	shalt  }
0x78: {  	_ =	shalt  }
0x79: {  	_ =	shalt  }
0x7a: {  	_ =	shalt  }
0x7b: {  	_ =	shalt  }
0x7c: {  	_ =	shalt  }
0x7d: {  	_ =	shalt  }
0x7e: {  	_ =	shalt  }
0x7f: {  	_ =	shalt  }
0x80: {  	_ =	shalt  }
0x81: {  	_ =	shalt  }
0x82: {  	_ =	shalt  }
0x83: {  	_ =	shalt  }
0x84: {  	_ =	shalt  }
0x85: {  	_ =	shalt  }
0x86: {  	_ =	shalt  }
0x87: {  	_ =	shalt  }
.Lfunc_end0:
.L_simem_size_0:
called_computation.3_lowered:
.L_overlay_start_0:
0x88: {  	s2 =	sld [smem:$0x3FD9]  }
0x89: {  	s3 =	sld [smem:$0x3FFE];
	_ =	sdelay $0x1  }
0x8a: {  	s1 =	srdreg.scid  }
0x8b: {  	s0 =	sand.u32 $0x1, s1  }
0x8c: {  	s17 =	sshll.u32 s0, $0xA;
	s2 =	sadd.s32 s3, s2  }
0x8d: {  	s2 =	sadd.s32 s2, s17  }
0x8e: {  	[smem:$0x3FC4] =	sst s2  }
0x8f: {  	_ = 	snop  }
0x90: {  	s2 =	sld [smem:$0x3FD0];
	(tm) =	ssettm $0x1  }
0x91: {  	s18 =	sld [smem:$0x3FFB];
	_ =	sdelay $0x3  }
0x92: {  	_ =	strace s18  }
0x93: {  	s3 =	sld [smem:$0x3FFC];
	_ =	sdelay $0x3  }
0x94: {  	_ =	strace s3  }
0x95: {  	s3 =	sld [smem:$0x3FFD];
	_ =	sdelay $0x3  }
0x96: {  	_ =	strace s3  }
0x97: {  	_ =	strace $0x8FFFFFFF  }
0x98: {  	s19 =	sld [smem:$0x3FDB];
	_ =	sdelay $0x1  }
0x99: {  	s4 =	simm.s32 $_scs_section_size  }
0x9a: {  	s5 =	simm.s32 $_size__tile_overlayer_lowered;
	s6 =	simm.s32 $_tile_overlayer_lowered  }
0x9b: {  	s22 =	simm.s32 $0x1BFF;
	s21 =	sshll.u32 s6, $0x1;
	s3 =	sadd.s32 s4, s19  }
0x9c: {  	s7 =	simm.s32 $0x0;
	s20 =	sshll.u32 s5, $0x1;
	s5 =	sadd.s32 s21, s3  }
0x9d: {  	[timem:s7], [sflag:s22] =	dma.local [hbm:s5], s20  }
0x9e: {  	_ =	swait.ge [sflag:s22], s20  }
0x9f: {  	s4 =	ssub.s32 $0x0, s20;
	[sflag:s22] =	ssyncset.done $0x0  }
0xa0: {  	[sflag:s22] =	ssyncadd.s32 s4;
	_ =	sdelay $0x1  }
0xa1: {  	s23 =	simm.s32 $0x1B8B  }
0xa2: {  	_ =	swait.ge [sflag:s23], $0x1  }
0xa3: {  	[sflag:s23] =	ssyncset.done $0x0  }
0xa4: {  	s25 =	simm.s32 $0x1B8E;
	s24 =	sld [smem:$0x3FFE];
	[sflag:s23] =	ssyncadd.s32 $0xFFFFFFFF  }
0xa5: {  	s26 =	simm.s32 $execute0_lowered;
	[smem:$0x3FD2] =	sst s25  }
0xa6: {  	s5 =	sshll.u32 s26, $0x1;
	_ =	strace $0x8000004C;
	[dreg:$0x1] =	wrdreg $0xFFFFFFFF  }
0xa7: {  	s28 =	simm.s32 $_size_execute0_lowered;
	s3 =	sadd.s32 s3, s5;
	[dreg:$0x0] =	wrdreg $0x0  }
0xa8: {  	s5 =	sshll.u32 s28, $0x1;
	[dreg:$0x2] =	wrdreg s3  }
0xa9: {  	[dreg:$0x3] =	wrdreg s5  }
0xaa: {  	[dreg:$0x4] =	wrdreg $0xC0  }
0xab: {  	_ =	task [dreg:s7], $0x5FFFF  }
0xac: {  	[dreg:$0x1] =	wrdreg $0xFFFFFFFF  }
0xad: {  	[dreg:$0x0] =	wrdreg $0x60  }
0xae: {  	[dreg:$0x2] =	wrdreg s24  }
0xaf: {  	[dreg:$0x3] =	wrdreg s2  }
0xb0: {  	[dreg:$0x4] =	wrdreg $0x9  }
0xb1: {  	_ =	task.clear_ibuf [dreg:s7], $0x5FFFF;
	_ =	strace $0x9000004C  }
0xb2: {  	s29 =	simm.s32 $0x9;
	_ =	strace $0x8000004E  }
0xb3: {  	_ =	swait.ge [sflag:s29], $0x1  }
0xb4: {  	[sflag:s29] =	ssyncadd.s32 $0xFFFFFFFF  }
0xb5: {  	_ =	strace $0x9000004E  }
0xb6: {  	_ =	sfence  }
0xb7: {  	s30 =	sld [smem:$0x0];
	_ =	sdelay $0x2  }
0xb8: {  	s31 =	sshll.u32 s1, $0xD;
	s1 =	sshrl.u32 s1, $0x2  }
0xb9: {  	s3 =	sand.u32 $0x4000, s31;
	s1 =	sadd.s32 s1, s30  }
0xba: {  	s0 =	sor.u32 s3, s0;
	s1 =	sshll.u32 s1, $0x11  }
0xbb: {  	s0 =	sor.u32 s1, s0  }
0xbc: {  	s0 =	sadd.s32 $0x8F2B, s0  }
0xbd: {  	[sflag:s0] =	ssyncadd.remote.s32 $0x1  }
0xbe: {  	_ =	sfence.sel $0xFFFF  }
0xbf: {  	[dreg:$0x0] =	wrdreg $0xFFFFFFFF;
	(pc) =	sbr.abs _section_cstart, $3  }
0xc0: {  	[dreg:$0x1] =	wrdreg $0xFFFFFFFF  }
0xc1: {  	_ =	task.clear_ibuf [dreg:s7], $0x2FFFF;
	_ =	strace $0x9FFFFFFF  }
0xc2: {  	(tm) =	ssettm $0x7FFFFFFF  }
0xc3: {  	_ =	shalt  }
tec
execute0_lowered:
.L_overlay_start_1:
0x0: {  	(tag) =	ssettag $0x1  }
0x1: {  	s0 =	srdreg.scid;
	s3 =	stileid.u32  }
0x2: {  	s0 =	sand.u32 $0x1, s0;
	s1 =	sshll.u32 s3, $0x1  }
0x3: {  	s2 =	rddreg [dreg:$0x0];
	s4 =	simm.s32 $0x0;
	s1 =	sor.u32 s0, s1  }
0x4: {  	[smem:$0x7FF] =	sst s4;
	s1 =	smul.u32 $0x1870, s1  }
0x5: {  	s22 =	sadd.s32 $0x189E00, s2;
	s23 =	sadd.s32 $0x1E00, s2;
	s25 =	sshrl.u32 s3, $0x2  }
0x6: {  	s30 =	sadd.s32 $0x1F00, s2;
	s0 =	ssub.s32 $0x2, s0;
	[dreg:$0x3] =	wrdreg s1  }
0x7: {  	s24 =	sshrl.u32 s0, $0x1;
	_ =	strace $0x8000004D;
	[dreg:$0x4] =	wrdreg s22  }
0x8: {  	s29 =	sshll.u32 s25, $0x6;
	s0 =	ssub.s32 s0, s24;
	[dreg:$0x5] =	wrdreg s23  }
0x9: {  	s1 =	sshrl.u32 s1, $0x3;
	s0 =	smax.u32 s0, $0x1;
	[dreg:$0x9] =	wrdreg s30  }
0xa: {  	s31 =	sshrl.u32 s29, $0x2;
	s1 =	sadd.s32 s1, s2;
	[dreg:$0xa] =	wrdreg s0  }
0xb: {  	v1 =	vimm.s32 $0x0;
	v2 =	vimm.s32 $0x1;
	v3 =	vimm.s32 $0x2;
	[dreg:$0xb] =	wrdreg s31;
	s26 =	sadd.s32 $0x196400, s1  }
0xc: {  	v4 =	vimm.s32 $0x3;
	v8 =	vlaneseq.u32;
	v5 =	vimm.s32 $0x4;
	s4 =	smul.u32 $0xC40, s25;
	s28 =	sadd.s32 $0x190200, s1;
	[dreg:$0x6] =	wrdreg s26  }
0xd: {  	vm0 =	vmmov $0xffff;
	s11 =	sadd.s32 $0x2000, s2;
	v6 =	vand.u32 $0x7, v8;
	v7 =	vshrl.u32 v8, $0x3;
	s1 =	sadd.s32 $0x18A000, s1;
	[dreg:$0x7] =	wrdreg s28  }
0xe: {  	s12 =	sadd.s32 $0x2100, s2;
	v8 =	vor.u32 $0x8, v8;
	v7 =	vmul.u32 $0x8, v7;
	v0 =	vmov s4;
	[dreg:$0x8] =	wrdreg s1;
	s1 =	simm.s32 $0x0  }
.LBB2_1:
0xf: {  	[dreg:$0xc] =	wrdreg s1  }
0x10: {  	s0 =	simm.s32 $0x0;
	s23 =	rddreg [dreg:$0x6];
	s2 =	simm.s32 $0x2  }
0x11: {  	[tilespmem:s0], [sflag:$0x2] =	stream.linear.gather [hbm4b:s23+s0], $0x1870, $0x38;
	[tilespmem:$0x18A80] =	vst v63  }
0x12: {  	_ =	swait.ge [sflag:s2], $0x1870  }
0x13: {  	[sflag:s2] =	ssyncset.done $0x0  }
0x14: {  	s3 =	simm.s32 $0x1880;
	s24 =	rddreg [dreg:$0x7];
	[sflag:s2] =	ssyncadd.s32 $0xFFFFE790  }
0x15: {  	[tilespmem:s3], [sflag:$0x2] =	stream.linear.gather [hbm4b:s24+s0], $0x1870, $0x38;
	[tilespmem:$0x18A80] =	vst v63  }
0x16: {  	_ =	swait.ge [sflag:s2], $0x1870  }
0x17: {  	[sflag:s2] =	ssyncset.done $0x0  }
0x18: {  	s26 =	simm.s32 $0x3100;
	s25 =	rddreg [dreg:$0x8];
	[sflag:s2] =	ssyncadd.s32 $0xFFFFE790  }
0x19: {  	[tilespmem:s26], [sflag:$0x2] =	stream.linear.gather [hbm4b:s25+s0], $0x1870, $0x38;
	[tilespmem:$0x18A80] =	vst v63  }
0x1a: {  	_ =	swait.ge [sflag:s2], $0x1870  }
0x1b: {  	[sflag:s2] =	ssyncset.done $0x0  }
0x1c: {  	s29 =	simm.s32 $0x4980;
	s28 =	rddreg [dreg:$0x4];
	[sflag:s2] =	ssyncadd.s32 $0xFFFFE790  }
0x1d: {  	[tilespmem:s29], [sflag:$0x2] =	stream.linear.gather [hbm4b:s28+s0], $0x80, $0x38;
	[tilespmem:$0x18A80] =	vst v63  }
0x1e: {  	_ =	swait.ge [sflag:s2], $0x80  }
0x1f: {  	[sflag:s2] =	ssyncset.done $0x0  }
0x20: {  	s31 =	rddreg [dreg:$0xb];
	[sflag:s2] =	ssyncadd.s32 $0xFFFFFF80  }
0x21: {  	v13 =	vld [tilespmem:s31+$0x4980];
	_ =	sdelay $0x4  }
0x22: {  	v9 =	vperm.xlane v13, v1  }
0x23: {  	v10 =	vperm.xlane v13, v2;
	v11 =	vperm.xlane v13, v3  }
0x24: {  	s30 =	simm.s32 $0x0;
	v12 =	vperm.xlane v13, v4;
	v13 =	vperm.xlane v13, v5  }
.LBB2_2:
0x25: {  	s0 =	sshll.u32 s30, $0x4  }
0x26: {  	v14 =	vld [tilespmem:s0+$0x3100];
	_ =	sdelay $0x4  }
0x27: {  	v14 =	vadd.f32 $-8.000000110e-01, v14;
	_ =	sdelay $0x1  }
0x28: {  	(erf) = vrcp.f32 v14;
	_ =	sdelay $0x2  }
0x29: {  	v14 =	vld [tilespmem:s0+$0x1880]  }
0x2a: {  	v15 =	vld [tilespmem:s0+$0x0];
	_ =	sdelay $0x3  }
0x2b: {  	v16 =	vmul.f32 v14, v12  }
0x2c: {  	v15 =	vmul.f32 v15, v9;
	v14 =	vmul.f32 v14, v10;
	v17 =	vpop (erf)  }
0x2d: {  	v16 =	vmul.f32 v17, v16  }
0x2e: {  	v14 =	vadd.f32 v14, v15  }
0x2f: {  	v15 =	vadd.f32 v16, v13  }
0x30: {  	v14 =	vmul.f32 v17, v14  }
0x31: {  	v15 =	vmax.f32 v15, $-1.000000000e+00  }
0x32: {  	v14 =	vadd.f32 v14, v11;
	v15 =	vmin.f32 v15, $1.000000000e+00  }
0x33: {  	v15 =	vadd.f32 $1.000000000e+00, v15  }
0x34: {  	v14 =	vmax.f32 v14, $-1.000000000e+00  }
0x35: {  	v14 =	vmin.f32 v14, $1.000000000e+00;
	v15 =	vmul.f32 $5.600000000e+01, v15  }
0x36: {  	v14 =	vadd.f32 $1.000000000e+00, v14  }
0x37: {  	v15 =	vadd.f32 $-1.000000000e+00, v15  }
0x38: {  	v14 =	vmul.f32 $5.600000000e+01, v14  }
0x39: {  	v15 =	vmul.f32 $5.000000000e-01, v15  }
0x3a: {  	v14 =	vadd.f32 $-1.000000000e+00, v14  }
0x3b: {  	v16 =	vtrunc.f32 v15  }
0x3c: {  	v14 =	vmul.f32 $5.000000000e-01, v14;
	v17 =	vcvt.f32.s32 v16;
	vm1 =	vlt.f32 v15, v16  }
0x3d: {  	v16 =	vsel vm1, $0xFFFFFFFF, v1  }
0x3e: {  	v18 =	vtrunc.f32 v14;
	v16 =	vadd.s32 v17, v16  }
0x3f: {  	vm1 =	vlt.f32 v14, v18;
	v17 =	vcvt.f32.s32 v18;
	vm2 =	vgt.s32 v16, $0x0  }
0x40: {  	v18 =	vsel vm1, $0xFFFFFFFF, v1;
	v19 =	vnsel vm2, $0x0, v16  }
0x41: {  	v17 =	vadd.s32 v17, v18;
	v18 =	vmin.u32 v19, $0x37  }
0x42: {  	vm1 =	vgt.s32 v17, $0x0;
	v18 =	vmul.u32 $0x38, v18  }
0x43: {  	v19 =	vnsel vm1, $0x0, v17  }
0x44: {  	v19 =	vmin.u32 v19, $0x37;
	v18 =	vadd.s32 v0, v18  }
0x45: {  	v20 =	vadd.s32 v19, v18  }
0x46: {  	v21 =	vadd.s32 $0x1, v16;
	v22 =	vshll.u32 v20, $0x3  }
0x47: {  	vm1 =	vgt.s32 v21, $0x0;
	v23 =	vand.u32 $0x7, v19;
	v22 =	vand.u32 $0x7FFFFFC0, v22  }
0x48: {  	v24 =	vadd.s32 $0x1, v17;
	v25 =	vnsel vm1, $0x0, v21;
	v22 =	vor.u32 v23, v22  }
0x49: {  	vm1 =	vgt.s32 v24, $0x0;
	v55 =	vmin.u32 v25, $0x37;
	v56 =	vperm.xlane v22, v6  }
0x4a: {  	v26 =	vnsel vm1, $0x0, v24;
	v23 =	vmul.u32 $0x38, v55  }
0x4b: {  	v26 =	vmin.u32 v26, $0x37;
	v25 =	vadd.s32 v7, v56  }
0x4c: {  	[tilespmem:$0x4A00] =	vst v20;
	v18 =	vadd.s32 v26, v18;
	v57 =	vadd.s32 v0, v23  }
0x4d: {  	[tilespmem:$0x4A10] =	vst v18;
	v18 =	vadd.s32 v19, v57  }
0x4e: {  	[dreg:$0xd] =	wrdreg s0;
	[tilespmem:$0x4A20] =	vst v18;
	v18 =	vadd.s32 v26, v57  }
0x4f: {  	s1 =	simm.s32 $0x0;
	s2 =	simm.s32 $0x4A80;
	s0 =	rddreg [dreg:$0x5];
	[tilespmem:$0x4A30] =	vst v18  }
0x50: {  	[tilespmem:s2], [sflag:$0x1] =	stream.indirect_vreg.gather [hbm4b:s0+s1], $0x80, v25, vm0, $0xb8;
	[tilespmem:$0x18A80] =	vst v63  }
0x51: {  	s3 =	simm.s32 $0x5280;
	v18 =	vperm.xlane v22, v8;
	s2 =	rddreg [dreg:$0x9]  }
0x52: {  	[tilespmem:s3], [sflag:$0x1] =	stream.indirect_vreg.gather [hbm4b:s2+s1], $0x80, v25, vm0, $0xb8;
	[tilespmem:$0x18A80] =	vst v63  }
0x53: {  	s23 =	simm.s32 $0x5A80;
	v18 =	vadd.s32 v7, v18  }
0x54: {  	[tilespmem:s23], [sflag:$0x1] =	stream.indirect_vreg.gather [hbm4b:s11+s1], $0x80, v25, vm0, $0xb8;
	[tilespmem:$0x18A80] =	vst v63  }
0x55: {  	s24 =	simm.s32 $0x6280  }
0x56: {  	[tilespmem:s24], [sflag:$0x1] =	stream.indirect_vreg.gather [hbm4b:s12+s1], $0x80, v25, vm0, $0xb8;
	[tilespmem:$0x18A80] =	vst v63  }
0x57: {  	s25 =	simm.s32 $0x6A80  }
0x58: {  	[tilespmem:s25], [sflag:$0x1] =	stream.indirect_vreg.gather [hbm4b:s0+s1], $0x80, v18, vm0, $0xb8;
	[tilespmem:$0x18A80] =	vst v63  }
0x59: {  	s26 =	simm.s32 $0x7280  }
0x5a: {  	[tilespmem:s26], [sflag:$0x1] =	stream.indirect_vreg.gather [hbm4b:s2+s1], $0x80, v18, vm0, $0xb8;
	[tilespmem:$0x18A80] =	vst v63  }
0x5b: {  	s28 =	simm.s32 $0x7A80  }
0x5c: {  	[tilespmem:s28], [sflag:$0x1] =	stream.indirect_vreg.gather [hbm4b:s11+s1], $0x80, v18, vm0, $0xb8;
	[tilespmem:$0x18A80] =	vst v63  }
0x5d: {  	s29 =	simm.s32 $0x8280  }
0x5e: {  	[tilespmem:s29], [sflag:$0x1] =	stream.indirect_vreg.gather [hbm4b:s12+s1], $0x80, v18, vm0, $0xb8;
	[tilespmem:$0x18A80] =	vst v63  }
0x5f: {  	v18 =	vld [tilespmem:$0x4A10];
	_ =	sdelay $0x4  }
0x60: {  	v19 =	vshll.u32 v18, $0x3  }
0x61: {  	v18 =	vand.u32 $0x7, v18;
	v19 =	vand.u32 $0xFFFFFFC0, v19  }
0x62: {  	v18 =	vor.u32 v18, v19  }
0x63: {  	v19 =	vperm.xlane v18, v6;
	_ =	sdelay $0x1  }
0x64: {  	v19 =	vadd.s32 v7, v19;
	_ =	sdelay $0x3  }
0x65: {  	s31 =	simm.s32 $0x8A80  }
0x66: {  	[tilespmem:s31], [sflag:$0x1] =	stream.indirect_vreg.gather [hbm4b:s0+s1], $0x80, v19, vm0, $0xb8;
	[tilespmem:$0x18A80] =	vst v63  }
0x67: {  	s4 =	simm.s32 $0x9280;
	v18 =	vperm.xlane v18, v8  }
0x68: {  	[tilespmem:s4], [sflag:$0x1] =	stream.indirect_vreg.gather [hbm4b:s2+s1], $0x80, v19, vm0, $0xb8;
	[tilespmem:$0x18A80] =	vst v63  }
0x69: {  	s5 =	simm.s32 $0x9A80;
	v18 =	vadd.s32 v7, v18  }
0x6a: {  	[tilespmem:s5], [sflag:$0x1] =	stream.indirect_vreg.gather [hbm4b:s11+s1], $0x80, v19, vm0, $0xb8;
	[tilespmem:$0x18A80] =	vst v63  }
0x6b: {  	s6 =	simm.s32 $0xA280  }
0x6c: {  	[tilespmem:s6], [sflag:$0x1] =	stream.indirect_vreg.gather [hbm4b:s12+s1], $0x80, v19, vm0, $0xb8;
	[tilespmem:$0x18A80] =	vst v63  }
0x6d: {  	s7 =	simm.s32 $0xAA80  }
0x6e: {  	[tilespmem:s7], [sflag:$0x1] =	stream.indirect_vreg.gather [hbm4b:s0+s1], $0x80, v18, vm0, $0xb8;
	[tilespmem:$0x18A80] =	vst v63  }
0x6f: {  	s8 =	simm.s32 $0xB280  }
0x70: {  	[tilespmem:s8], [sflag:$0x1] =	stream.indirect_vreg.gather [hbm4b:s2+s1], $0x80, v18, vm0, $0xb8;
	[tilespmem:$0x18A80] =	vst v63  }
0x71: {  	s9 =	simm.s32 $0xBA80  }
0x72: {  	[tilespmem:s9], [sflag:$0x1] =	stream.indirect_vreg.gather [hbm4b:s11+s1], $0x80, v18, vm0, $0xb8;
	[tilespmem:$0x18A80] =	vst v63  }
0x73: {  	s10 =	simm.s32 $0xC280  }
0x74: {  	[tilespmem:s10], [sflag:$0x1] =	stream.indirect_vreg.gather [hbm4b:s12+s1], $0x80, v18, vm0, $0xb8;
	[tilespmem:$0x18A80] =	vst v63  }
0x75: {  	v18 =	vld [tilespmem:$0x4A20];
	_ =	sdelay $0x4  }
0x76: {  	v19 =	vshll.u32 v18, $0x3  }
0x77: {  	v18 =	vand.u32 $0x7, v18;
	v19 =	vand.u32 $0xFFFFFFC0, v19  }
0x78: {  	v18 =	vor.u32 v18, v19  }
0x79: {  	v19 =	vperm.xlane v18, v6;
	_ =	sdelay $0x1  }
0x7a: {  	v19 =	vadd.s32 v7, v19;
	_ =	sdelay $0x3  }
0x7b: {  	s13 =	simm.s32 $0xCA80  }
0x7c: {  	[tilespmem:s13], [sflag:$0x1] =	stream.indirect_vreg.gather [hbm4b:s0+s1], $0x80, v19, vm0, $0xb8;
	[tilespmem:$0x18A80] =	vst v63  }
0x7d: {  	s14 =	simm.s32 $0xD280;
	v18 =	vperm.xlane v18, v8  }
0x7e: {  	[tilespmem:s14], [sflag:$0x1] =	stream.indirect_vreg.gather [hbm4b:s2+s1], $0x80, v19, vm0, $0xb8;
	[tilespmem:$0x18A80] =	vst v63  }
0x7f: {  	s15 =	simm.s32 $0xDA80;
	v18 =	vadd.s32 v7, v18  }
0x80: {  	[tilespmem:s15], [sflag:$0x1] =	stream.indirect_vreg.gather [hbm4b:s11+s1], $0x80, v19, vm0, $0xb8;
	[tilespmem:$0x18A80] =	vst v63  }
0x81: {  	s16 =	simm.s32 $0xE280  }
0x82: {  	[tilespmem:s16], [sflag:$0x1] =	stream.indirect_vreg.gather [hbm4b:s12+s1], $0x80, v19, vm0, $0xb8;
	[tilespmem:$0x18A80] =	vst v63  }
0x83: {  	s17 =	simm.s32 $0xEA80  }
0x84: {  	[tilespmem:s17], [sflag:$0x1] =	stream.indirect_vreg.gather [hbm4b:s0+s1], $0x80, v18, vm0, $0xb8;
	[tilespmem:$0x18A80] =	vst v63  }
0x85: {  	s18 =	simm.s32 $0xF280  }
0x86: {  	[tilespmem:s18], [sflag:$0x1] =	stream.indirect_vreg.gather [hbm4b:s2+s1], $0x80, v18, vm0, $0xb8;
	[tilespmem:$0x18A80] =	vst v63  }
0x87: {  	s19 =	simm.s32 $0xFA80  }
0x88: {  	[tilespmem:s19], [sflag:$0x1] =	stream.indirect_vreg.gather [hbm4b:s11+s1], $0x80, v18, vm0, $0xb8;
	[tilespmem:$0x18A80] =	vst v63  }
0x89: {  	s20 =	simm.s32 $0x10280  }
0x8a: {  	[tilespmem:s20], [sflag:$0x1] =	stream.indirect_vreg.gather [hbm4b:s12+s1], $0x80, v18, vm0, $0xb8;
	[tilespmem:$0x18A80] =	vst v63  }
0x8b: {  	v18 =	vld [tilespmem:$0x4A30];
	_ =	sdelay $0x4  }
0x8c: {  	v19 =	vshll.u32 v18, $0x3  }
0x8d: {  	v18 =	vand.u32 $0x7, v18;
	v19 =	vand.u32 $0xFFFFFFC0, v19  }
0x8e: {  	v18 =	vor.u32 v18, v19  }
0x8f: {  	v19 =	vperm.xlane v18, v6;
	_ =	sdelay $0x1  }
0x90: {  	v19 =	vadd.s32 v7, v19;
	_ =	sdelay $0x3  }
0x91: {  	s21 =	simm.s32 $0x10A80  }
0x92: {  	[tilespmem:s21], [sflag:$0x1] =	stream.indirect_vreg.gather [hbm4b:s0+s1], $0x80, v19, vm0, $0xb8;
	[tilespmem:$0x18A80] =	vst v63  }
0x93: {  	s22 =	simm.s32 $0x11280;
	v18 =	vperm.xlane v18, v8  }
0x94: {  	[tilespmem:s22], [sflag:$0x1] =	stream.indirect_vreg.gather [hbm4b:s2+s1], $0x80, v19, vm0, $0xb8;
	[tilespmem:$0x18A80] =	vst v63  }
0x95: {  	s23 =	simm.s32 $0x11A80;
	v18 =	vadd.s32 v7, v18  }
0x96: {  	[tilespmem:s23], [sflag:$0x1] =	stream.indirect_vreg.gather [hbm4b:s11+s1], $0x80, v19, vm0, $0xb8;
	[tilespmem:$0x18A80] =	vst v63  }
0x97: {  	s24 =	simm.s32 $0x12280  }
0x98: {  	v59 =	vcvt.s32.f32 v16;
	v58 =	vcvt.s32.f32 v17;
	[tilespmem:s24], [sflag:$0x1] =	stream.indirect_vreg.gather [hbm4b:s12+s1], $0x80, v19, vm0, $0xb8;
	[tilespmem:$0x18A80] =	vst v63  }
0x99: {  	s25 =	simm.s32 $0x12A80  }
0x9a: {  	v15 =	vsub.f32 v15, v59;
	v14 =	vsub.f32 v14, v58;
	[tilespmem:s25], [sflag:$0x1] =	stream.indirect_vreg.gather [hbm4b:s0+s1], $0x80, v18, vm0, $0xb8;
	[tilespmem:$0x18A80] =	vst v63  }
0x9b: {  	vm2 =	vlt.u32 v16, $0x38;
	s26 =	simm.s32 $0x13280  }
0x9c: {  	v60 =	vsub.f32 $1.000000000e+00, v15;
	vm1 =	vlt.u32 v17, $0x38;
	v19 =	vsub.f32 $1.000000000e+00, v14;
	[tilespmem:s26], [sflag:$0x1] =	stream.indirect_vreg.gather [hbm4b:s2+s1], $0x80, v18, vm0, $0xb8;
	[tilespmem:$0x18A80] =	vst v63  }
0x9d: {  	v17 =	vsel vm2, $0x3F800000, v1;
	v16 =	vsel vm1, $0x3F800000, v1;
	s28 =	simm.s32 $0x13A80  }
0x9e: {  	vm1 =	vlt.u32 v21, $0x38;
	v61 =	vmul.f32 v19, v60;
	v19 =	vmul.f32 v19, v15;
	[tilespmem:s28], [sflag:$0x1] =	stream.indirect_vreg.gather [hbm4b:s11+s1], $0x80, v18, vm0, $0xb8;
	[tilespmem:$0x18A80] =	vst v63  }
0x9f: {  	v20 =	vmul.f32 v60, v14;
	v62 =	vsel vm1, $0x3F800000, v1;
	s29 =	simm.s32 $0x14280;
	s31 =	simm.s32 $0x1;
	v14 =	vmul.f32 v14, v15  }
0xa0: {  	v15 =	vmul.f32 v17, v61;
	v19 =	vmul.f32 v62, v19;
	[tilespmem:s29], [sflag:$0x1] =	stream.indirect_vreg.gather [hbm4b:s12+s1], $0x80, v18, vm0, $0xb8;
	[tilespmem:$0x18A80] =	vst v63  }
0xa1: {  	vm1 =	vlt.u32 v24, $0x38;
	v63 =	vmul.f32 v62, v14;
	v17 =	vmul.f32 v17, v20;
	_ =	swait.ge [sflag:s31], $0x10000  }
0xa2: {  	v14 =	vmul.f32 v16, v15;
	v16 =	vmul.f32 v16, v19;
	v18 =	vsel vm1, $0x3F800000, v1;
	[sflag:s31] =	ssyncset.done $0x0  }
0xa3: {  	s0 =	simm.s32 $0x0;
	v15 =	vmul.f32 v18, v17;
	v17 =	vmul.f32 v18, v63;
	[sflag:s31] =	ssyncadd.s32 $0xFFFF0000  }
.LBB2_3:
0xa4: {  	s2 =	sshll.u32 s0, $0xA;
	s4 =	sshll.u32 s0, $0x7  }
0xa5: {  	s2 =	sand.u32 $0x2000, s2;
	s4 =	sand.u32 $0x380, s4  }
0xa6: {  	s14 =	sand.u32 $0x40, s1;
	s23 =	sand.u32 $0x1C00, s1;
	s17 =	sor.u32 s2, s4  }
0xa7: {  	s7 =	sor.u32 $0x30, s14;
	s5 =	sadd.s32 $0x8A80, s17;
	s9 =	sor.u32 s23, s17  }
0xa8: {  	s18 =	sadd.s32 s23, s5;
	s15 =	sor.u32 s7, s9  }
0xa9: {  	s8 =	sadd.s32 $0xCA80, s17;
	v21 =	vld [tilespmem:s15+$0x4A80];
	s13 =	sadd.s32 s7, s18  }
0xaa: {  	s16 =	sor.u32 s14, s9;
	s19 =	sadd.s32 s23, s8;
	v22 =	vld [tilespmem:s13+$0x0]  }
0xab: {  	v24 =	vld [tilespmem:s16+$0x4A80];
	s20 =	sadd.s32 s7, s19;
	s13 =	sadd.s32 $0x10A80, s17  }
0xac: {  	v23 =	vmov s0;
	s21 =	sadd.s32 s14, s18;
	v25 =	vld [tilespmem:s20+$0x0];
	s22 =	sadd.s32 s23, s13  }
0xad: {  	v19 =	vperm.xlane v14, v23;
	v20 =	vperm.xlane v15, v23;
	s24 =	sor.u32 $0x10, s14;
	v26 =	vld [tilespmem:s21+$0x0];
	s25 =	sadd.s32 s7, s22  }
0xae: {  	v18 =	vperm.xlane v16, v23;
	s28 =	sadd.s32 s24, s18;
	v27 =	vld [tilespmem:s25+$0x0]  }
0xaf: {  	s26 =	sor.u32 $0x20, s14;
	v30 =	vld [tilespmem:s28+$0x0];
	s7 =	sor.u32 s24, s9;
	v29 =	vmul.f32 v21, v19;
	v22 =	vmul.f32 v22, v20  }
0xb0: {  	s9 =	sor.u32 s26, s9;
	v28 =	vld [tilespmem:s7+$0x4A80]  }
0xb1: {  	s18 =	sadd.s32 s26, s18;
	v21 =	vperm.xlane v17, v23;
	v23 =	vld [tilespmem:s9+$0x4A80];
	v25 =	vmul.f32 v25, v18;
	v22 =	vadd.f32 v22, v29  }
0xb2: {  	s29 =	sadd.s32 s14, s19;
	v31 =	vmul.f32 v26, v20;
	v26 =	vld [tilespmem:s18+$0x0]  }
0xb3: {  	s2 =	simm.s32 $0x200;
	s23 =	sadd.s32 s24, s19;
	v29 =	vmul.f32 v24, v19;
	v24 =	vld [tilespmem:s29+$0x0];
	v33 =	vmul.f32 v27, v21;
	v32 =	vadd.f32 v25, v22  }
0xb4: {  	s31 =	sadd.s32 s26, s19;
	s19 =	simm.s32 $0x40;
	s21 =	sadd.s32 s14, s22;
	v30 =	vmul.f32 v30, v20;
	v27 =	vld [tilespmem:s23+$0x0]  }
0xb5: {  	s4 =	sadd.s32 s24, s22;
	s20 =	sadd.s32 s26, s22;
	s18 =	simm.s32 $0x0;
	v22 =	vadd.f32 v31, v29;
	v29 =	vmul.f32 v28, v19;
	v25 =	vld [tilespmem:s31+$0x0];
	v28 =	vadd.f32 v33, v32  }
.LBB2_4:
0xb6: {  	s22 =	sand.u32 $0x40, s19;
	s23 =	sand.u32 $0x1C00, s2;
	v31 =	vld [tilespmem:s21+$0x0];
	v23 =	vmul.f32 v23, v19  }
0xb7: {  	s18 =	sadd.s32 $0x4, s18;
	s21 =	sor.u32 s23, s17;
	s24 =	sor.u32 $0x30, s22;
	v29 =	vadd.f32 v30, v29;
	v30 =	vld [tilespmem:s4+$0x0];
	v26 =	vmul.f32 v26, v20;
	[tilespmem:s15+$0x14A80] =	vst v28  }
0xb8: {  	s4 =	sadd.s32 s23, s5;
	p0 =	slt.u32 s18, $0x3C;
	s15 =	sor.u32 s24, s21;
	v24 =	vmul.f32 v24, v18;
	v28 =	vld [tilespmem:s20+$0x0]  }
0xb9: {  	s25 =	sor.u32 $0x20, s22;
	s20 =	sor.u32 $0x10, s22;
	s26 =	sadd.s32 s24, s4;
	v32 =	vld [tilespmem:s15+$0x4A80];
	v27 =	vmul.f32 v27, v18;
	v23 =	vadd.f32 v26, v23  }
0xba: {  	s28 =	sadd.s32 s23, s8;
	s29 =	sor.u32 s22, s21;
	s3 =	sadd.s32 s22, s4;
	v26 =	vld [tilespmem:s26+$0x0];
	v22 =	vadd.f32 v24, v22;
	v24 =	vmul.f32 v25, v18  }
0xbb: {  	s31 =	sadd.s32 s24, s28;
	s14 =	sadd.s32 s20, s4;
	s26 =	sor.u32 s20, s21;
	v25 =	vld [tilespmem:s29+$0x4A80];
	v31 =	vmul.f32 v31, v21;
	v27 =	vadd.f32 v27, v29  }
0xbc: {  	s23 =	sadd.s32 s23, s13;
	s6 =	sor.u32 s25, s21;
	s10 =	sadd.s32 s25, s4;
	v29 =	vld [tilespmem:s31+$0x0];
	v30 =	vmul.f32 v30, v21;
	v23 =	vadd.f32 v24, v23  }
0xbd: {  	s24 =	sadd.s32 s24, s23;
	s31 =	sadd.s32 s20, s28;
	v24 =	vld [tilespmem:s3+$0x0];
	s3 =	sadd.s32 s22, s28;
	v22 =	vadd.f32 v31, v22;
	v28 =	vmul.f32 v28, v21  }
0xbe: {  	s4 =	sadd.s32 s20, s23;
	s21 =	sadd.s32 s22, s23;
	s22 =	sadd.s32 s25, s28;
	v31 =	vld [tilespmem:s24+$0x0];
	v27 =	vadd.f32 v30, v27  }
0xbf: {  	s20 =	sadd.s32 s25, s23;
	v32 =	vmul.f32 v32, v19;
	v30 =	vld [tilespmem:s26+$0x4A80];
	v26 =	vmul.f32 v26, v20;
	[tilespmem:s16+$0x14A80] =	vst v22;
	v22 =	vadd.f32 v28, v23;
	s16 =	smov.u32 s29  }
0xc0: {  	v25 =	vmul.f32 v25, v19;
	v28 =	vld [tilespmem:s14+$0x0];
	[tilespmem:s7+$0x14A80] =	vst v27;
	s7 =	smov.u32 s26  }
.Ltmp0:
0xc1: {  	v23 =	vld [tilespmem:s6+$0x4A80];
	v27 =	vadd.f32 v26, v32;
	v29 =	vmul.f32 v29, v18;
	[tilespmem:s9+$0x14A80] =	vst v22;
	s9 =	smov.u32 s6;
	(pc) =	sbr.rel @p0 .LBB2_4-.Ltmp0, $4  }
0xc2: {  	v22 =	vmul.f32 v24, v20;
	v26 =	vld [tilespmem:s10+$0x0]  }
0xc3: {  	v24 =	vld [tilespmem:s3+$0x0];
	v32 =	vadd.f32 v29, v27;
	v31 =	vmul.f32 v31, v21  }
0xc4: {  	v22 =	vadd.f32 v22, v25;
	v29 =	vmul.f32 v30, v19;
	v27 =	vld [tilespmem:s31+$0x0]  }
0xc5: {  	s2 =	sadd.s32 $0x200, s2;
	s19 =	sadd.s32 $0x40, s19;
	v30 =	vmul.f32 v28, v20;
	v25 =	vld [tilespmem:s22+$0x0];
	v28 =	vadd.f32 v31, v32  }
0xc6: {  	v31 =	vld [tilespmem:s21+$0x0]  }
0xc7: {  	v32 =	vld [tilespmem:s4+$0x0]  }
0xc8: {  	v19 =	vmul.f32 v23, v19;
	v56 =	vld [tilespmem:s20+$0x0];
	v20 =	vmul.f32 v26, v20  }
0xc9: {  	v24 =	vmul.f32 v24, v18  }
0xca: {  	v57 =	vadd.f32 v30, v29;
	v27 =	vmul.f32 v27, v18;
	v19 =	vadd.f32 v20, v19  }
0xcb: {  	s0 =	sadd.s32 $0x1, s0;
	v58 =	vadd.f32 v24, v22;
	v18 =	vmul.f32 v25, v18;
	v59 =	vmul.f32 v31, v21  }
0xcc: {  	p0 =	sne.s32 s0, $0x10;
	v60 =	vadd.f32 v27, v57;
	v61 =	vmul.f32 v32, v21  }
.Ltmp1:
0xcd: {  	v62 =	vmul.f32 v56, v21;
	v18 =	vadd.f32 v18, v19;
	v19 =	vadd.f32 v59, v58;
	(pc) =	sbr.rel @p0 .LBB2_3-.Ltmp1, $4  }
0xce: {  	[tilespmem:s15+$0x14A80] =	vst v28;
	v63 =	vadd.f32 v61, v60  }
0xcf: {  	v18 =	vadd.f32 v62, v18;
	[tilespmem:s16+$0x14A80] =	vst v19  }
0xd0: {  	[tilespmem:s7+$0x14A80] =	vst v63  }
0xd1: {  	[tilespmem:s9+$0x14A80] =	vst v18  }
0xd2: {  	s0 =	rddreg [dreg:$0x3]  }
0xd3: {  	s1 =	rddreg [dreg:$0xd]  }
0xd4: {  	s28 =	rddreg [dreg:$0x1]  }
0xd5: {  	s29 =	simm.s32 $0x0;
	s30 =	sadd.s32 $0x1, s30;
	s0 =	sadd.s32 s0, s1  }
0xd6: {  	s2 =	simm.s32 $0x14A80;
	p0 =	sne.s32 s30, $0x187;
	s0 =	sshll.u32 s0, $0x7  }
.Ltmp2:
0xd7: {  	s31 =	simm.s32 $0x2;
	s0 =	sadd.s32 s28, s0;
	(pc) =	sbr.rel @p0 .LBB2_2-.Ltmp2, $4  }
0xd8: {  	[hbm4b:s0+s29] =	stream.linear.scatter [tilespmem:s2], [sflag:$0x2], $0x4000, $0x38;
	[tilespmem:$0x18A80] =	vst v63  }
0xd9: {  	_ =	swait.ge [sflag:s31], $0x4000  }
0xda: {  	[sflag:s31] =	ssyncset.done $0x0  }
0xdb: {  	[sflag:s31] =	ssyncadd.s32 $0xFFFFC000  }
0xdc: {  	s1 =	rddreg [dreg:$0xc]  }
0xdd: {  	s0 =	rddreg [dreg:$0xa];
	s1 =	sadd.s32 $0x1, s1  }
0xde: {  	p0 =	sne.s32 s1, s0  }
.Ltmp3:
0xdf: {  	_ = 	snop;
	(pc) =	sbr.rel @p0 .LBB2_1-.Ltmp3, $1  }
0xe0: {  	_ =	sdelay $0x3  }
0xe1: {  	_ =	sfence.sel $0x180000  }
0xe2: {  	[bflag:$0x0] =	sbarrier.arrive $0xFFFF  }
0xe3: {  	_ =	strace $0x9000004D  }
0xe4: {  	s0 =	stileid.u32;
	[bflag:$0x2] =	sbarrier.arrive $0xFFFF  }
0xe5: {  	p0 =	sne.s32 s0, $0x0;
	s0 =	rddreg [dreg:$0x2]  }
0xe6: {  	s0 =	sadd.s32 @!p0 $0x100000, s0  }
0xe7: {  	[sflag:s0] =	ssyncadd.tile.s32 @!p0 $0x1;
	_ =	shalt  }
.Lfunc_end2:
_tile_overlayer_lowered:
.L_overlay_start_2:
0xe8: {  	(tag) =	ssettag $0x2  }
0xe9: {  	s0 =	rddreg [dreg:$0x0];
	s2 =	stileid.u32  }
0xea: {  	s1 =	rddreg [dreg:$0x1];
	p0 =	sne.s32 s2, $0x0  }
0xeb: {  	s3 =	rddreg [dreg:$0x2];
	[bflag:$0x3] =	sbarrier.arrive $0xFFFF;
	s2 =	simm.s32 @!p0 $0x1C02  }
0xec: {  	[timem:s3], [sflag:s2] =	dma.local @!p0 [hbm:s0], s1  }
0xed: {  	s0 =	simm.s32 @!p0 $0x2  }
0xee: {  	_ =	swait.ge @!p0 [sflag:s0], s1  }
0xef: {  	s1 =	ssub.s32 @!p0 $0x0, s1;
	[sflag:s0] =	ssyncset.done @!p0 $0x0  }
0xf0: {  	[sflag:s0] =	ssyncadd.s32 @!p0 s1  }
0xf1: {  	[bflag:$0x3] =	sbarrier.arrive $0xFFFF  }
0xf2: {  	_ =	shalt  }

// kernel: sparse-core-data-format-call.1.cloned.1.call-start
scs
called_computation.1_lowered:
.L_overlay_start_0:
0x0: {  	s2 =	sld [smem:$0x3FD9]  }
0x1: {  	s3 =	sld [smem:$0x3FFE];
	_ =	sdelay $0x1  }
0x2: {  	s1 =	srdreg.scid  }
0x3: {  	s0 =	sand.u32 $0x1, s1  }
0x4: {  	s18 =	sshll.u32 s0, $0xA;
	s2 =	sadd.s32 s3, s2  }
0x5: {  	s2 =	sadd.s32 s2, s18  }
0x6: {  	[smem:$0x3FC4] =	sst s2  }
0x7: {  	_ = 	snop  }
0x8: {  	s2 =	sld [smem:$0x3FD0];
	(tm) =	ssettm $0x1  }
0x9: {  	s19 =	sld [smem:$0x3FFB];
	_ =	sdelay $0x3  }
0xa: {  	_ =	strace s19  }
0xb: {  	s3 =	sld [smem:$0x3FFC];
	_ =	sdelay $0x3  }
0xc: {  	_ =	strace s3  }
0xd: {  	s3 =	sld [smem:$0x3FFD];
	_ =	sdelay $0x3  }
0xe: {  	_ =	strace s3  }
0xf: {  	_ =	strace $0x8FFFFFFF  }
0x10: {  	s20 =	sld [smem:$0x3FDB];
	_ =	sdelay $0x1  }
0x11: {  	s4 =	simm.s32 $_scs_section_size  }
0x12: {  	s5 =	simm.s32 $_size__tile_overlayer_lowered;
	s6 =	simm.s32 $_tile_overlayer_lowered  }
0x13: {  	s23 =	simm.s32 $0x1BFF;
	s22 =	sshll.u32 s6, $0x1;
	s3 =	sadd.s32 s4, s20  }
0x14: {  	s7 =	simm.s32 $0x0;
	s21 =	sshll.u32 s5, $0x1;
	s5 =	sadd.s32 s22, s3  }
0x15: {  	[timem:s7], [sflag:s23] =	dma.local [hbm:s5], s21  }
0x16: {  	_ =	swait.ge [sflag:s23], s21  }
0x17: {  	s4 =	ssub.s32 $0x0, s21;
	[sflag:s23] =	ssyncset.done $0x0  }
0x18: {  	[sflag:s23] =	ssyncadd.s32 s4;
	_ =	sdelay $0x1  }
0x19: {  	s24 =	simm.s32 $0x1B8B  }
0x1a: {  	_ =	swait.ge [sflag:s24], $0x1  }
0x1b: {  	[sflag:s24] =	ssyncset.done $0x0  }
0x1c: {  	s26 =	simm.s32 $0x1B8E;
	s25 =	sld [smem:$0x3FFE];
	[sflag:s24] =	ssyncadd.s32 $0xFFFFFFFF  }
0x1d: {  	s27 =	simm.s32 $execute0_lowered;
	[smem:$0x3FD2] =	sst s26  }
0x1e: {  	s5 =	sshll.u32 s27, $0x1;
	_ =	strace $0x80000049;
	[dreg:$0x1] =	wrdreg $0xFFFFFFFF  }
0x1f: {  	s28 =	simm.s32 $_size_execute0_lowered;
	s3 =	sadd.s32 s3, s5;
	[dreg:$0x0] =	wrdreg $0x0  }
0x20: {  	s5 =	sshll.u32 s28, $0x1;
	[dreg:$0x2] =	wrdreg s3  }
0x21: {  	[dreg:$0x3] =	wrdreg s5  }
0x22: {  	[dreg:$0x4] =	wrdreg $0xC0  }
0x23: {  	_ =	task [dreg:s7], $0x5FFFF  }
0x24: {  	[dreg:$0x1] =	wrdreg $0xFFFFFFFF  }
0x25: {  	[dreg:$0x0] =	wrdreg $0x60  }
0x26: {  	[dreg:$0x2] =	wrdreg s2  }
0x27: {  	[dreg:$0x3] =	wrdreg s25  }
0x28: {  	[dreg:$0x4] =	wrdreg $0x9  }
0x29: {  	_ =	task.clear_ibuf [dreg:s7], $0x5FFFF;
	_ =	strace $0x90000049  }
0x2a: {  	s29 =	simm.s32 $0x9;
	_ =	strace $0x8000004B  }
0x2b: {  	_ =	swait.ge [sflag:s29], $0x1  }
0x2c: {  	[sflag:s29] =	ssyncadd.s32 $0xFFFFFFFF  }
0x2d: {  	_ =	strace $0x9000004B  }
0x2e: {  	_ =	sfence  }
0x2f: {  	s30 =	sld [smem:$0x0];
	_ =	sdelay $0x2  }
0x30: {  	s31 =	sshll.u32 s1, $0xD;
	s1 =	sshrl.u32 s1, $0x2  }
0x31: {  	s3 =	sand.u32 $0x4000, s31;
	s1 =	sadd.s32 s1, s30  }
0x32: {  	s0 =	sor.u32 s3, s0;
	s1 =	sshll.u32 s1, $0x11  }
0x33: {  	s0 =	sor.u32 s1, s0  }
0x34: {  	s0 =	sadd.s32 $0x8F2B, s0  }
0x35: {  	[sflag:s0] =	ssyncadd.remote.s32 $0x1  }
0x36: {  	_ =	sfence.sel $0xFFFF  }
0x37: {  	[dreg:$0x0] =	wrdreg $0xFFFFFFFF;
	(pc) =	sbr.abs _section_cstart, $3  }
0x38: {  	[dreg:$0x1] =	wrdreg $0xFFFFFFFF  }
0x39: {  	_ =	task.clear_ibuf [dreg:s7], $0x2FFFF;
	_ =	strace $0x9FFFFFFF  }
0x3a: {  	(tm) =	ssettm $0x7FFFFFFF  }
0x3b: {  	_ =	shalt  }
tec
execute0_lowered:
.L_overlay_start_1:
0x0: {  	(tag) =	ssettag $0x1  }
0x1: {  	s0 =	srdreg.scid  }
0x2: {  	s1 =	sshll.u32 s0, $0x4  }
0x3: {  	s2 =	rddreg [dreg:$0x0];
	s0 =	stileid.u32;
	s1 =	sand.u32 $0x10, s1  }
0x4: {  	s4 =	rddreg [dreg:$0x1];
	s7 =	simm.s32 $0x1;
	s1 =	sor.u32 s0, s1  }
0x5: {  	s8 =	simm.s32 $0x2;
	s9 =	simm.s32 $0x0;
	s3 =	sshll.u32 s1, $0x1  }
0x6: {  	s12 =	simm.s32 $0x0;
	s11 =	simm.s32 $0x0;
	s6 =	ssub.s32 $0x620, s3  }
.Ltmp0:
0x7: {  	s4 =	sadd.s32 $0x1E00, s4;
	s5 =	sand.u32 $0x3E, s6;
	(pc) =	sbr.rel .LBB1_1-.Ltmp0, $4  }
0x8: {  	s1 =	rddreg [dreg:$0x2];
	_ =	strace $0x8000004A;
	p0 =	sne.s32 s5, $0x0  }
0x9: {  	s6 =	sshrl.u32 s6, $0x6;
	s5 =	simm.s32 $0x1;
	s7 =	simm.s32 @!p0 $0x0  }
0xa: {  	s10 =	smov.u32 s3;
	[sflag:s5] =	ssyncpa.u1 $0x0;
	s6 =	sadd.s32 s7, s6  }
0xb: {  	[sflag:s8] =	ssyncpa.u1 $0x0;
	s8 =	simm.s32 $0x0;
	s7 =	sadd.s32 $0x1, s6  }
.LBB1_9:
0xc: {  	s14 =	sadd.s32 $0x40, s10  }
0xd: {  	p1 =	sgt.s32 s14, $0x61F  }
0xe: {  	s14 =	smov.u32 @p1 s3;
	p1 =	sne.s32 s11, s7  }
.Ltmp1:
0xf: {  	p0 =	slt.u32 s11, $0x2;
	(pc) =	sbr.rel @!p1 .LBB1_10-.Ltmp1, $4  }
0x10: {  	s13 =	simm.s32 @!p0 $0x2  }
0x11: {  	s15 =	sadd.s32 $0x1, s11;
	_ =	swait.ge @!p0 [sflag:s13], $0x4000  }
0x12: {  	s12 =	smov.u32 s10;
	s9 =	sadd.s32 $0x4000, s9;
	[sflag:s13] =	ssyncset.done @!p0 $0x0  }
0x13: {  	s11 =	smov.u32 s15;
	s10 =	smov.u32 s14;
	[sflag:s13] =	ssyncadd.s32 @!p0 $0xFFFFC000  }
.LBB1_1:
0x14: {  	p0 =	sge.u32 s11, s6  }
0x15: {  	s13 =	sxor.u32 @!p0 $0xFFFFFFFF, s11  }
0x16: {  	s31 =	sadd.s32 $0xFFFFFFFF, s11;
	s14 =	sshll.u32 @!p0 s10, $0xA;
	s13 =	sshll.u32 @!p0 s13, $0xE  }
0x17: {  	s15 =	simm.s32 @!p0 $0x0;
	s14 =	sadd.s32 @!p0 s2, s14;
	s13 =	sand.u32 @!p0 $0x4000, s13  }
0x18: {  	[tilespmem:s13], [sflag:$0x1] =	stream.linear.gather @!p0 [hbm4b:s14+s15], $0x4000, $0x38;
	[tilespmem:$0x10000] =	vst v63  }
0x19: {  	p0 =	sge.u32 s31, s6  }
.Ltmp2:
0x1a: {  	_ = 	snop;
	(pc) =	sbr.rel @p0 .LBB1_9-.Ltmp2, $1  }
0x1b: {  	_ =	sdelay $0x3  }
0x1c: {  	s13 =	sshll.u32 s9, $0x2  }
0x1d: {  	_ =	swait.ge [sflag:s5], $0x4000;
	s14 =	sshll.u32 s11, $0xE;
	s18 =	simm.s32 $0x0  }
0x1e: {  	p1 =	por $0x1, $0x1;
	s13 =	sand.u32 $0x10000, s13;
	[sflag:s5] =	ssyncset.done $0x0  }
0x1f: {  	s15 =	sand.u32 $0x4000, s14;
	s13 =	sshrl.u32 s13, $0x2;
	[sflag:s5] =	ssyncadd.s32 $0xFFFFC000  }
0x20: {  	s14 =	sor.u32 $0x8000, s15;
	s16 =	sor.u32 $0x8000, s13;
	s17 =	sadd.s32 $0x8400, s13  }
.LBB1_3:
0x21: {  	s19 =	sshll.u32 s18, $0x2  }
0x22: {  	s19 =	sshrl.u32 s19, $0x2  }
0x23: {  	v0 =	vmov s19;
	_ =	sdelay $0x2  }
0x24: {  	p0 =	por p1, p1;
	p1 =	por $0x0, $0x0;
	s20 =	simm.s32 $0x0  }
0x25: {  	s21 =	smov.u32 s13;
	s22 =	simm.s32 $0x0;
	s19 =	smov.u32 s16  }
.LBB1_4:
0x26: {  	_ =	sdelay $0x3  }
0x27: {  	v2 =	vld.idx.msk [tilespmem:v0+s21+$0x10 ss:$0x1], $0xffff  }
0x28: {  	v3 =	vld.idx.msk [tilespmem:v0+s21+$0x270 ss:$0x1], $0xffff  }
0x29: {  	s23 =	sshll.u32 s22, $0xA;
	v5 =	vld.idx.msk [tilespmem:v0+s21+$0x20 ss:$0x1], $0xffff  }
0x2a: {  	v8 =	vld.idx.msk [tilespmem:v0+s21+$0x30 ss:$0x1], $0xffff;
	s23 =	sadd.s32 s18, s23  }
0x2b: {  	v9 =	vld.idx.msk [tilespmem:v0+s21+$0x40 ss:$0x1], $0xffff;
	v1 =	vmov s23  }
0x2c: {  	s30 =	simm.s32 $0x0;
	v10 =	vld.idx.msk [tilespmem:v0+s21+$0x50 ss:$0x1], $0xffff  }
0x2d: {  	v11 =	vld.idx.msk [tilespmem:v0+s21+$0x60 ss:$0x1], $0xffff;
	s24 =	sand.u32 $0x100, s30  }
0x2e: {  	v12 =	vld.idx.msk [tilespmem:v0+s21+$0x70 ss:$0x1], $0xffff;
	s23 =	sand.u32 $0x80, s30;
	s24 =	sadd.s32 s24, s15;
	[tilespmem:v0+s19+$0x470 ss:$0x1] =	vst.idx.msk $0xffff, v3  }
0x2f: {  	v7 =	vld.idx.msk [tilespmem:v0+s21+$0x210 ss:$0x1], $0xffff;
	s23 =	sadd.s32 s23, s24;
	s24 =	simm.s32 $0x1;
	[tilespmem:v0+s19+$0x10 ss:$0x1] =	vst.idx.msk $0xffff, v2  }
0x30: {  	s31 =	sshll.u32 s20, $0x2;
	s24 =	simm.s32 @!p1 $0x0;
	[tilespmem:v0+s19+$0x20 ss:$0x1] =	vst.idx.msk $0xffff, v5;
	v4 =	vld.idx.msk [tilespmem:v1+s23+$0x200 ss:$0x1], $0xffff  }
0x31: {  	v6 =	vld.idx.msk [tilespmem:v0+s21+$0x220 ss:$0x1], $0xffff;
	s24 =	sshll.u32 s24, $0x9;
	[tilespmem:v0+s19+$0x30 ss:$0x1] =	vst.idx.msk $0xffff, v8;
	s23 =	sand.u32 $0xFFFFFC00, s31  }
0x32: {  	v3 =	vld.idx.msk [tilespmem:v0+s21+$0x230 ss:$0x1], $0xffff;
	[tilespmem:v0+s19+$0x40 ss:$0x1] =	vst.idx.msk $0xffff, v9;
	s23 =	sor.u32 s24, s23  }
0x33: {  	[tilespmem:v0+s19+$0x50 ss:$0x1] =	vst.idx.msk $0xffff, v10;
	v5 =	vld.idx.msk [tilespmem:v0+s21+$0x250 ss:$0x1], $0xffff;
	s23 =	sshrl.u32 s23, $0x2  }
0x34: {  	[tilespmem:v0+s19+$0x60 ss:$0x1] =	vst.idx.msk $0xffff, v11;
	v2 =	vld.idx.msk [tilespmem:v0+s21+$0x260 ss:$0x1], $0xffff;
	s23 =	sadd.s32 s23, s17  }
0x35: {  	s27 =	simm.s32 $0x80;
	s26 =	simm.s32 $0x100;
	[tilespmem:v0+s23+$0x0 ss:$0x1] =	vst.idx.msk $0xffff, v4;
	v4 =	vld.idx.msk [tilespmem:v0+s21+$0x240 ss:$0x1], $0xffff  }
0x36: {  	s25 =	smov.u32 s19;
	s28 =	sand.u32 $0x100, s27;
	v8 =	vld.idx.msk [tilespmem:v0+s21+$0x0 ss:$0x1], $0xffff;
	[tilespmem:v0+s19+$0x70 ss:$0x1] =	vst.idx.msk $0xffff, v12;
	s24 =	sadd.s32 $0x80, s21  }
.LBB1_5:
0x37: {  	p2 =	sne.s32 s26, $0x180;
	v9 =	vld.idx.msk [tilespmem:v0+s24+$0x10 ss:$0x1], $0xffff;
	s27 =	sand.u32 $0x80, s27;
	s28 =	sadd.s32 s28, s15;
	[tilespmem:v0+s25+$0x410 ss:$0x1] =	vst.idx.msk $0xffff, v7  }
0x38: {  	s28 =	sadd.s32 s27, s28;
	v7 =	vld.idx.msk [tilespmem:v0+s24+$0x270 ss:$0x1], $0xffff;
	[tilespmem:v0+s25+$0x420 ss:$0x1] =	vst.idx.msk $0xffff, v6;
	s27 =	smov.u32 s26  }
0x39: {  	v6 =	vld.idx.msk [tilespmem:v1+s28+$0x200 ss:$0x1], $0xffff;
	[tilespmem:v0+s25+$0x430 ss:$0x1] =	vst.idx.msk $0xffff, v3  }
0x3a: {  	v3 =	vld.idx.msk [tilespmem:v0+s24+$0x20 ss:$0x1], $0xffff;
	[tilespmem:v0+s25+$0x440 ss:$0x1] =	vst.idx.msk $0xffff, v4  }
0x3b: {  	v4 =	vld.idx.msk [tilespmem:v0+s24+$0x30 ss:$0x1], $0xffff;
	[tilespmem:v0+s25+$0x450 ss:$0x1] =	vst.idx.msk $0xffff, v5  }
0x3c: {  	v5 =	vld.idx.msk [tilespmem:v0+s24+$0x40 ss:$0x1], $0xffff;
	[tilespmem:v0+s25+$0x0 ss:$0x1] =	vst.idx.msk $0xffff, v8  }
0x3d: {  	v8 =	vld.idx.msk [tilespmem:v0+s24+$0x50 ss:$0x1], $0xffff;
	[tilespmem:v0+s25+$0x460 ss:$0x1] =	vst.idx.msk $0xffff, v2;
	s25 =	sadd.s32 $0x800, s25  }
0x3e: {  	s23 =	sadd.s32 $0x800, s23;
	v2 =	vld.idx.msk [tilespmem:v0+s24+$0x60 ss:$0x1], $0xffff;
	[tilespmem:v0+s25+$0x470 ss:$0x1] =	vst.idx.msk $0xffff, v7  }
0x3f: {  	v10 =	vld.idx.msk [tilespmem:v0+s24+$0x70 ss:$0x1], $0xffff;
	[tilespmem:v0+s23+$0x0 ss:$0x1] =	vst.idx.msk $0xffff, v6  }
0x40: {  	[tilespmem:v0+s25+$0x10 ss:$0x1] =	vst.idx.msk $0xffff, v9;
	v7 =	vld.idx.msk [tilespmem:v0+s24+$0x210 ss:$0x1], $0xffff  }
0x41: {  	[tilespmem:v0+s25+$0x20 ss:$0x1] =	vst.idx.msk $0xffff, v3;
	v6 =	vld.idx.msk [tilespmem:v0+s24+$0x220 ss:$0x1], $0xffff  }
.Ltmp3:
0x42: {  	[tilespmem:v0+s25+$0x30 ss:$0x1] =	vst.idx.msk $0xffff, v4;
	v3 =	vld.idx.msk [tilespmem:v0+s24+$0x230 ss:$0x1], $0xffff;
	(pc) =	sbr.rel @p2 .LBB1_5-.Ltmp3, $4  }
0x43: {  	[tilespmem:v0+s25+$0x40 ss:$0x1] =	vst.idx.msk $0xffff, v5;
	v4 =	vld.idx.msk [tilespmem:v0+s24+$0x240 ss:$0x1], $0xffff  }
0x44: {  	[tilespmem:v0+s25+$0x50 ss:$0x1] =	vst.idx.msk $0xffff, v8;
	v5 =	vld.idx.msk [tilespmem:v0+s24+$0x250 ss:$0x1], $0xffff  }
0x45: {  	[tilespmem:v0+s25+$0x60 ss:$0x1] =	vst.idx.msk $0xffff, v2;
	v2 =	vld.idx.msk [tilespmem:v0+s24+$0x260 ss:$0x1], $0xffff  }
0x46: {  	s26 =	sadd.s32 $0x80, s26;
	s28 =	sand.u32 $0x100, s27;
	v8 =	vld.idx.msk [tilespmem:v0+s24+$0x0 ss:$0x1], $0xffff;
	[tilespmem:v0+s25+$0x70 ss:$0x1] =	vst.idx.msk $0xffff, v10;
	s24 =	sadd.s32 $0x80, s24  }
0x47: {  	_ =	sdelay $0x3  }
0x48: {  	[tilespmem:v0+s25+$0x410 ss:$0x1] =	vst.idx.msk $0xffff, v7  }
0x49: {  	[tilespmem:v0+s25+$0x420 ss:$0x1] =	vst.idx.msk $0xffff, v6  }
0x4a: {  	v56 =	vld.idx.msk [tilespmem:v0+s24+$0x270 ss:$0x1], $0xffff;
	[tilespmem:v0+s25+$0x430 ss:$0x1] =	vst.idx.msk $0xffff, v3  }
0x4b: {  	v3 =	vld.idx.msk [tilespmem:v0+s24+$0x10 ss:$0x1], $0xffff;
	[tilespmem:v0+s25+$0x440 ss:$0x1] =	vst.idx.msk $0xffff, v4  }
0x4c: {  	v57 =	vld.idx.msk [tilespmem:v0+s24+$0x20 ss:$0x1], $0xffff;
	[tilespmem:v0+s25+$0x450 ss:$0x1] =	vst.idx.msk $0xffff, v5  }
0x4d: {  	s26 =	sand.u32 $0x80, s27;
	s30 =	sadd.s32 s28, s15;
	v58 =	vld.idx.msk [tilespmem:v0+s24+$0x30 ss:$0x1], $0xffff;
	[tilespmem:v0+s25+$0x460 ss:$0x1] =	vst.idx.msk $0xffff, v2  }
0x4e: {  	s31 =	sadd.s32 $0x800, s25;
	v59 =	vld.idx.msk [tilespmem:v0+s24+$0x50 ss:$0x1], $0xffff;
	s26 =	sadd.s32 s26, s30;
	[tilespmem:v0+s25+$0x0 ss:$0x1] =	vst.idx.msk $0xffff, v8  }
0x4f: {  	v1 =	vld.idx.msk [tilespmem:v1+s26+$0x200 ss:$0x1], $0xffff;
	[tilespmem:v0+s31+$0x470 ss:$0x1] =	vst.idx.msk $0xffff, v56  }
0x50: {  	v60 =	vld.idx.msk [tilespmem:v0+s24+$0x210 ss:$0x1], $0xffff;
	[tilespmem:v0+s31+$0x10 ss:$0x1] =	vst.idx.msk $0xffff, v3  }
0x51: {  	v61 =	vld.idx.msk [tilespmem:v0+s24+$0x220 ss:$0x1], $0xffff;
	[tilespmem:v0+s31+$0x20 ss:$0x1] =	vst.idx.msk $0xffff, v57  }
0x52: {  	v2 =	vld.idx.msk [tilespmem:v0+s24+$0x40 ss:$0x1], $0xffff;
	[tilespmem:v0+s31+$0x30 ss:$0x1] =	vst.idx.msk $0xffff, v58  }
0x53: {  	s23 =	sadd.s32 $0x800, s23;
	v3 =	vld.idx.msk [tilespmem:v0+s24+$0x70 ss:$0x1], $0xffff;
	[tilespmem:v0+s31+$0x50 ss:$0x1] =	vst.idx.msk $0xffff, v59  }
0x54: {  	[tilespmem:v0+s23+$0x0 ss:$0x1] =	vst.idx.msk $0xffff, v1;
	v1 =	vld.idx.msk [tilespmem:v0+s24+$0x60 ss:$0x1], $0xffff  }
0x55: {  	v62 =	vld.idx.msk [tilespmem:v0+s24+$0x240 ss:$0x1], $0xffff;
	[tilespmem:v0+s31+$0x410 ss:$0x1] =	vst.idx.msk $0xffff, v60  }
0x56: {  	v63 =	vld.idx.msk [tilespmem:v0+s24+$0x260 ss:$0x1], $0xffff;
	[tilespmem:v0+s31+$0x420 ss:$0x1] =	vst.idx.msk $0xffff, v61  }
0x57: {  	[tilespmem:v0+s31+$0x40 ss:$0x1] =	vst.idx.msk $0xffff, v2;
	v2 =	vld.idx.msk [tilespmem:v0+s24+$0x230 ss:$0x1], $0xffff  }
0x58: {  	s22 =	sadd.s32 $0x1, s22;
	[tilespmem:v0+s31+$0x70 ss:$0x1] =	vst.idx.msk $0xffff, v3;
	v3 =	vld.idx.msk [tilespmem:v0+s24+$0x0 ss:$0x1], $0xffff  }
0x59: {  	p2 =	sne.s32 s22, $0x8;
	[tilespmem:v0+s31+$0x60 ss:$0x1] =	vst.idx.msk $0xffff, v1;
	v1 =	vld.idx.msk [tilespmem:v0+s24+$0x250 ss:$0x1], $0xffff  }
.Ltmp4:
0x5a: {  	[tilespmem:v0+s31+$0x440 ss:$0x1] =	vst.idx.msk $0xffff, v62;
	(pc) =	sbr.rel @p2 .LBB1_4-.Ltmp4, $4  }
0x5b: {  	[tilespmem:v0+s31+$0x460 ss:$0x1] =	vst.idx.msk $0xffff, v63  }
0x5c: {  	[tilespmem:v0+s31+$0x430 ss:$0x1] =	vst.idx.msk $0xffff, v2  }
0x5d: {  	s21 =	sadd.s32 $0x400, s21;
	[tilespmem:v0+s31+$0x0 ss:$0x1] =	vst.idx.msk $0xffff, v3  }
0x5e: {  	s20 =	sadd.s32 $0x80, s20;
	p1 =	por !p1, !p1;
	s19 =	sadd.s32 $0x80, s19;
	[tilespmem:v0+s31+$0x450 ss:$0x1] =	vst.idx.msk $0xffff, v1  }
.Ltmp5:
0x5f: {  	(pc) =	sbr.rel @p0 .LBB1_3-.Ltmp5, $2  }
0x60: {  	_ =	sdelay $0x2  }
0x61: {  	s18 =	simm.s32 $0x2000;
	p1 =	por $0x0, $0x0  }
.Ltmp6:
0x62: {  	(pc) =	sbr.rel .LBB1_9-.Ltmp6, $4  }
0x63: {  	_ = 	snop  }
0x64: {  	s12 =	sshll.u32 s12, $0xA  }
0x65: {  	s12 =	sadd.s32 s4, s12  }
0x66: {  	[hbm4b:s12+s8] =	stream.linear.scatter [tilespmem:s14], [sflag:$0x2], $0x4000, $0x38;
	[tilespmem:$0x10000] =	vst v63  }
.LBB1_10:
0x67: {  	_ =	sfence.sel $0x180000  }
0x68: {  	s2 =	simm.s32 $0x1;
	[bflag:$0x0] =	sbarrier.arrive $0xFFFF  }
0x69: {  	s31 =	simm.s32 $0x2;
	[sflag:s2] =	ssyncpa.u1 $0x1  }
0x6a: {  	[sflag:s31] =	ssyncpa.u1 $0x1  }
0x6b: {  	p0 =	sne.s32 s0, $0x0;
	_ =	strace $0x9000004A  }
0x6c: {  	s0 =	sadd.s32 @!p0 $0x100000, s1;
	[bflag:$0x2] =	sbarrier.arrive $0xFFFF  }
0x6d: {  	[sflag:s0] =	ssyncadd.tile.s32 @!p0 $0x1;
	_ =	shalt  }
.Lfunc_end1:
_tile_overlayer_lowered:
.L_overlay_start_2:
0x6e: {  	(tag) =	ssettag $0x2  }
0x6f: {  	s0 =	rddreg [dreg:$0x0];
	s2 =	stileid.u32  }
0x70: {  	s1 =	rddreg [dreg:$0x1];
	p0 =	sne.s32 s2, $0x0  }
0x71: {  	s3 =	rddreg [dreg:$0x2];
	[bflag:$0x3] =	sbarrier.arrive $0xFFFF;
	s2 =	simm.s32 @!p0 $0x1C01  }
0x72: {  	[timem:s3], [sflag:s2] =	dma.local @!p0 [hbm:s0], s1  }
0x73: {  	s0 =	simm.s32 @!p0 $0x1  }
0x74: {  	_ =	swait.ge @!p0 [sflag:s0], s1  }
0x75: {  	s1 =	ssub.s32 @!p0 $0x0, s1;
	[sflag:s0] =	ssyncset.done @!p0 $0x0  }
0x76: {  	[sflag:s0] =	ssyncadd.s32 @!p0 s1  }
0x77: {  	[bflag:$0x3] =	sbarrier.arrive $0xFFFF  }
0x78: {  	_ =	shalt  }

// kernel: sparse-core-data-format-call.2.cloned.1.call-start
scs
called_computation.2_lowered:
.L_overlay_start_0:
0x0: {  	s2 =	sld [smem:$0x3FD9]  }
0x1: {  	s3 =	sld [smem:$0x3FFE];
	_ =	sdelay $0x1  }
0x2: {  	s1 =	srdreg.scid  }
0x3: {  	s0 =	sand.u32 $0x1, s1  }
0x4: {  	s19 =	sshll.u32 s0, $0xA;
	s2 =	sadd.s32 s3, s2  }
0x5: {  	s2 =	sadd.s32 s2, s19  }
0x6: {  	[smem:$0x3FC4] =	sst s2  }
0x7: {  	_ = 	snop  }
0x8: {  	s2 =	sld [smem:$0x3FC8]  }
0x9: {  	s20 =	sld [smem:$0x3FD0];
	(tm) =	ssettm $0x1  }
0xa: {  	s4 =	sld [smem:$0x3FFB];
	_ =	sdelay $0x3  }
0xb: {  	_ =	strace s4  }
0xc: {  	s4 =	sld [smem:$0x3FFC];
	_ =	sdelay $0x3  }
0xd: {  	_ =	strace s4  }
0xe: {  	s4 =	sld [smem:$0x3FFD];
	_ =	sdelay $0x3  }
0xf: {  	_ =	strace s4  }
0x10: {  	_ =	strace $0x8FFFFFFF  }
0x11: {  	s21 =	sld [smem:$0x3FDB];
	_ =	sdelay $0x1  }
0x12: {  	s5 =	simm.s32 $_scs_section_size  }
0x13: {  	s6 =	simm.s32 $_size__tile_overlayer_lowered;
	s7 =	simm.s32 $_tile_overlayer_lowered  }
0x14: {  	s24 =	simm.s32 $0x1BFF;
	s23 =	sshll.u32 s7, $0x1;
	s4 =	sadd.s32 s5, s21  }
0x15: {  	s8 =	simm.s32 $0x0;
	s22 =	sshll.u32 s6, $0x1;
	s6 =	sadd.s32 s23, s4  }
0x16: {  	[timem:s8], [sflag:s24] =	dma.local [hbm:s6], s22  }
0x17: {  	_ =	swait.ge [sflag:s24], s22  }
0x18: {  	s5 =	ssub.s32 $0x0, s22;
	[sflag:s24] =	ssyncset.done $0x0  }
0x19: {  	[sflag:s24] =	ssyncadd.s32 s5;
	_ =	sdelay $0x1  }
0x1a: {  	s25 =	simm.s32 $0x1B8B  }
0x1b: {  	_ =	swait.ge [sflag:s25], $0x1  }
0x1c: {  	[sflag:s25] =	ssyncset.done $0x0  }
0x1d: {  	s26 =	simm.s32 $0x1B8E;
	[sflag:s25] =	ssyncadd.s32 $0xFFFFFFFF  }
0x1e: {  	s27 =	simm.s32 $execute0_lowered;
	[smem:$0x3FD2] =	sst s26  }
0x1f: {  	s5 =	sshll.u32 s27, $0x1;
	_ =	strace $0x80000046;
	[dreg:$0x1] =	wrdreg $0xFFFFFFFF  }
0x20: {  	s28 =	simm.s32 $_size_execute0_lowered;
	s4 =	sadd.s32 s4, s5;
	[dreg:$0x0] =	wrdreg $0x0  }
0x21: {  	s5 =	sshll.u32 s28, $0x1;
	[dreg:$0x2] =	wrdreg s4  }
0x22: {  	[dreg:$0x3] =	wrdreg s5  }
0x23: {  	[dreg:$0x4] =	wrdreg $0xC0  }
0x24: {  	_ =	task [dreg:s8], $0x5FFFF  }
0x25: {  	[dreg:$0x1] =	wrdreg $0xFFFFFFFF  }
0x26: {  	[dreg:$0x0] =	wrdreg $0x60  }
0x27: {  	[dreg:$0x2] =	wrdreg s2  }
0x28: {  	[dreg:$0x3] =	wrdreg s20  }
0x29: {  	[dreg:$0x4] =	wrdreg $0x9  }
0x2a: {  	_ =	task.clear_ibuf [dreg:s8], $0x5FFFF;
	_ =	strace $0x90000046  }
0x2b: {  	s29 =	simm.s32 $0x9;
	_ =	strace $0x80000048  }
0x2c: {  	_ =	swait.ge [sflag:s29], $0x1  }
0x2d: {  	[sflag:s29] =	ssyncadd.s32 $0xFFFFFFFF  }
0x2e: {  	_ =	strace $0x90000048  }
0x2f: {  	_ =	sfence  }
0x30: {  	s30 =	sld [smem:$0x0];
	_ =	sdelay $0x2  }
0x31: {  	s31 =	sshll.u32 s1, $0xD;
	s1 =	sshrl.u32 s1, $0x2  }
0x32: {  	s3 =	sand.u32 $0x4000, s31;
	s1 =	sadd.s32 s1, s30  }
0x33: {  	s0 =	sor.u32 s3, s0;
	s1 =	sshll.u32 s1, $0x11  }
0x34: {  	s0 =	sor.u32 s1, s0  }
0x35: {  	s0 =	sadd.s32 $0x8F2B, s0  }
0x36: {  	[sflag:s0] =	ssyncadd.remote.s32 $0x1  }
0x37: {  	_ =	sfence.sel $0xFFFF  }
0x38: {  	[dreg:$0x0] =	wrdreg $0xFFFFFFFF;
	(pc) =	sbr.abs _section_cstart, $3  }
0x39: {  	[dreg:$0x1] =	wrdreg $0xFFFFFFFF  }
0x3a: {  	_ =	task.clear_ibuf [dreg:s8], $0x2FFFF;
	_ =	strace $0x9FFFFFFF  }
0x3b: {  	(tm) =	ssettm $0x7FFFFFFF  }
tec
execute0_lowered:
.L_overlay_start_1:
0x0: {  	(tag) =	ssettag $0x1  }
0x1: {  	s0 =	srdreg.scid  }
0x2: {  	s3 =	stileid.u32;
	s8 =	rddreg [dreg:$0x0];
	s0 =	sshll.u32 s0, $0x4  }
0x3: {  	_ =	strace $0x80000047;
	s30 =	simm.s32 $0x1;
	s0 =	sor.u32 s3, s0  }
0x4: {  	s31 =	simm.s32 $0x2;
	s20 =	simm.s32 $0x0;
	s0 =	sshrl.u32 s0, $0x1  }
0x5: {  	s14 =	simm.s32 $0x0;
	s21 =	simm.s32 $0x0;
	s5 =	sand.u32 $0xE, s0  }
0x6: {  	s22 =	simm.s32 $0x0;
	s23 =	simm.s32 $0x0;
	s0 =	ssub.s32 $0x38, s5  }
0x7: {  	s15 =	simm.s32 $0x0;
	s18 =	simm.s32 $0x0;
	s1 =	sand.u32 $0xE, s0  }
0x8: {  	s19 =	simm.s32 $0x0;
	p0 =	sne.s32 s1, $0x0;
	s1 =	simm.s32 $0x1  }
.Ltmp0:
0x9: {  	s0 =	sshrl.u32 s0, $0x4;
	s1 =	simm.s32 @!p0 $0x0;
	(pc) =	sbr.rel .LBB1_1-.Ltmp0, $4  }
0xa: {  	s27 =	sand.u32 $0x3, s3;
	[sflag:s30] =	ssyncpa.u1 $0x0;
	s0 =	sadd.s32 s1, s0  }
0xb: {  	s9 =	sadd.s32 $0x62000, s8;
	s10 =	sadd.s32 $0xC4000, s8;
	s7 =	smul.u32 $0x7, s0  }
0xc: {  	s11 =	sadd.s32 $0x126000, s8;
	[sflag:s31] =	ssyncpa.u1 $0x0;
	s17 =	smov.u32 s27  }
0xd: {  	[dreg:$0x3] =	wrdreg s27;
	s16 =	smov.u32 s5;
	s2 =	sadd.s32 $0x1, s7  }
.LBB1_9:
0xe: {  	s0 =	sadd.s32 $0x8, s15  }
0xf: {  	s1 =	sadd.s32 $0x10, s16;
	s3 =	smov.u32 s16;
	p1 =	sgt.s32 s0, $0x37  }
0x10: {  	s3 =	smov.u32 @p1 s1  }
0x11: {  	s4 =	smov.u32 s17;
	s1 =	sadd.s32 $0x4, s17;
	p2 =	sgt.s32 s3, $0x37  }
0x12: {  	s4 =	smov.u32 @p2 s1  }
0x13: {  	s6 =	smov.u32 s18;
	s1 =	sadd.s32 $0x4, s18;
	p3 =	sgt.s32 s4, $0x3  }
0x14: {  	p0 =	slt.u32 s19, $0x2;
	s6 =	smov.u32 @p3 s1  }
0x15: {  	s20 =	smov.u32 s15;
	s0 =	simm.s32 @p1 $0x0;
	p1 =	sgt.s32 s6, $0x3  }
0x16: {  	s21 =	smov.u32 s16;
	s6 =	simm.s32 @p1 $0x0;
	p1 =	sne.s32 s19, s2  }
.Ltmp1:
0x17: {  	s22 =	smov.u32 s17;
	s23 =	smov.u32 s18;
	(pc) =	sbr.rel @!p1 .LBB1_10-.Ltmp1, $4  }
0x18: {  	s14 =	sadd.s32 $0x4000, s14;
	s15 =	smov.u32 s0;
	s1 =	simm.s32 @!p0 $0x2  }
0x19: {  	s3 =	smov.u32 @p2 s5;
	s4 =	smov.u32 @p3 s27;
	_ =	swait.ge @!p0 [sflag:s1], $0x4000  }
0x1a: {  	s16 =	smov.u32 s3;
	s17 =	smov.u32 s4;
	[sflag:s1] =	ssyncset.done @!p0 $0x0  }
0x1b: {  	s19 =	sadd.s32 $0x1, s19;
	[sflag:s1] =	ssyncadd.s32 @!p0 $0xFFFFC000;
	s18 =	smov.u32 s6  }
.LBB1_1:
0x1c: {  	p0 =	sge.u32 s19, s7  }
0x1d: {  	s0 =	sshll.u32 @!p0 s15, $0x8;
	s1 =	sshll.u32 @!p0 s15, $0x7  }
0x1e: {  	s0 =	sand.u32 @!p0 $0xFFFFF800, s0;
	s1 =	sand.u32 @!p0 $0x300, s1  }
0x1f: {  	s3 =	smul.u32 @!p0 $0x62000, s18;
	s0 =	sor.u32 @!p0 s1, s0  }
0x20: {  	s4 =	smul.u32 @!p0 $0x18800, s17;
	s0 =	sshrl.u32 @!p0 s0, $0x8  }
0x21: {  	s1 =	smulhi.u32 @!p0 $0x4924925, s0  }
0x22: {  	s12 =	smul.u32 @!p0 $0x700, s16  }
0x23: {  	s6 =	sxor.u32 @!p0 $0xFFFFFFFF, s19;
	s13 =	sadd.s32 @!p0 s3, s4;
	s1 =	smul.u32 @!p0 $0x38, s1  }
0x24: {  	s24 =	sshll.u32 @!p0 s15, $0x4;
	s25 =	simm.s32 @!p0 $0x3800;
	s13 =	sadd.s32 @!p0 s8, s13  }
0x25: {  	s13 =	sadd.s32 @!p0 s12, s13;
	s0 =	ssub.s32 @!p0 s0, s1;
	s1 =	sand.u32 @!p0 $0x10, s24  }
0x26: {  	s6 =	sshll.u32 @!p0 s6, $0xE;
	s0 =	sshll.u32 @!p0 s0, $0x5;
	s13 =	sadd.s32 @!p0 s1, s13  }
0x27: {  	s6 =	sand.u32 @!p0 $0x4000, s6;
	s24 =	simm.s32 @!p0 $0x800;
	s13 =	sadd.s32 @!p0 s0, s13  }
0x28: {  	[tilespmem:s6], [sflag:$0x1] =	stream.strided.gather @!p0 [hbm4b:s13+s24], $0x1000, s25, s24, $0x38;
	[tilespmem:$0x10000] =	vst v63  }
0x29: {  	s13 =	sadd.s32 @!p0 s3, s9  }
0x2a: {  	s13 =	sadd.s32 @!p0 s4, s13  }
0x2b: {  	s13 =	sadd.s32 @!p0 s12, s13  }
0x2c: {  	s13 =	sadd.s32 @!p0 s1, s13  }
0x2d: {  	s26 =	sor.u32 @!p0 $0x1000, s6;
	s13 =	sadd.s32 @!p0 s0, s13  }
0x2e: {  	[tilespmem:s26], [sflag:$0x1] =	stream.strided.gather @!p0 [hbm4b:s13+s24], $0x1000, s25, s24, $0x38;
	[tilespmem:$0x10000] =	vst v63  }
0x2f: {  	s13 =	sadd.s32 @!p0 s3, s10  }
0x30: {  	s3 =	sadd.s32 @!p0 s3, s11;
	s13 =	sadd.s32 @!p0 s4, s13  }
0x31: {  	s3 =	sadd.s32 @!p0 s4, s3;
	s13 =	sadd.s32 @!p0 s12, s13  }
0x32: {  	s3 =	sadd.s32 @!p0 s12, s3;
	s13 =	sadd.s32 @!p0 s1, s13  }
0x33: {  	s26 =	sor.u32 @!p0 $0x2000, s6;
	s1 =	sadd.s32 @!p0 s1, s3;
	s13 =	sadd.s32 @!p0 s0, s13  }
0x34: {  	[tilespmem:s26], [sflag:$0x1] =	stream.strided.gather @!p0 [hbm4b:s13+s24], $0x1000, s25, s24, $0x38;
	[tilespmem:$0x10000] =	vst v63  }
0x35: {  	s31 =	sadd.s32 $0xFFFFFFFF, s19;
	s0 =	sadd.s32 @!p0 s0, s1;
	s1 =	sor.u32 @!p0 $0x3000, s6  }
0x36: {  	[tilespmem:s1], [sflag:$0x1] =	stream.strided.gather @!p0 [hbm4b:s0+s24], $0x1000, s25, s24, $0x38;
	[tilespmem:$0x10000] =	vst v63  }
0x37: {  	p0 =	sge.u32 s31, s7  }
.Ltmp2:
0x38: {  	_ = 	snop;
	(pc) =	sbr.rel @p0 .LBB1_9-.Ltmp2, $1  }
0x39: {  	_ =	sdelay $0x3  }
0x3a: {  	s0 =	sshll.u32 s14, $0x2  }
0x3b: {  	s3 =	simm.s32 $0x1;
	s1 =	sshll.u32 s19, $0xE;
	s29 =	simm.s32 $0x0  }
0x3c: {  	p0 =	por $0x0, $0x0;
	s30 =	simm.s32 $0x0;
	s0 =	sand.u32 $0x10000, s0  }
0x3d: {  	_ =	swait.ge [sflag:s3], $0x4000;
	s27 =	sand.u32 $0x4000, s1;
	s0 =	sshrl.u32 s0, $0x2  }
0x3e: {  	[sflag:s3] =	ssyncset.done $0x0;
	s24 =	sor.u32 $0x8000, s27;
	s25 =	sor.u32 $0x70, s0  }
0x3f: {  	s26 =	sor.u32 $0x8000, s0;
	[sflag:s3] =	ssyncadd.s32 $0xFFFFC000;
	s28 =	sadd.s32 $0x8200, s0  }
.LBB1_3:
0x40: {  	s0 =	simm.s32 $0x1  }
0x41: {  	s1 =	sshll.u32 s29, $0x2;
	s0 =	simm.s32 @!p0 $0x0  }
0x42: {  	s1 =	sand.u32 $0xFFFFFC00, s1;
	s0 =	sshll.u32 s0, $0x9  }
0x43: {  	s0 =	sor.u32 s0, s1  }
0x44: {  	s31 =	sshll.u32 s30, $0xC;
	s0 =	sshrl.u32 s0, $0x2  }
0x45: {  	p2 =	por $0x1, $0x1;
	s1 =	sadd.s32 s0, s28;
	s0 =	simm.s32 $0x0  }
.LBB1_4:
0x46: {  	s6 =	sshll.u32 s0, $0xD  }
0x47: {  	s12 =	sshra.s32 s6, $0x2  }
0x48: {  	s12 =	sadd.s32 s12, s25  }
0x49: {  	v1 =	vld [tilespmem:s12+$0xFFFFFFA0]  }
0x4a: {  	s3 =	sshll.u32 s0, $0xB;
	v2 =	vld [tilespmem:s12+$0x400]  }
0x4b: {  	s3 =	sor.u32 s31, s3;
	v4 =	vld [tilespmem:s12+$0xFFFFFFB0]  }
0x4c: {  	s4 =	simm.s32 $0x0;
	v0 =	vmov s3;
	v7 =	vld [tilespmem:s12+$0xFFFFFFC0]  }
0x4d: {  	s13 =	sand.u32 $0x300, s4;
	v8 =	vld [tilespmem:s12+$0xFFFFFFD0]  }
0x4e: {  	s4 =	sand.u32 $0x80, s4;
	s0 =	sand.u32 $0x3FFFE000, s6;
	s3 =	sadd.s32 s13, s27;
	v9 =	vld [tilespmem:s12+$0xFFFFFFE0]  }
0x4f: {  	s3 =	sadd.s32 s4, s3;
	s4 =	sadd.s32 s0, s26;
	v10 =	vld [tilespmem:s12+$0xFFFFFFF0]  }
0x50: {  	v11 =	vld [tilespmem:s12+$0x0];
	[tilespmem:s4+$0x270] =	vst v2  }
0x51: {  	v3 =	vld.idx.msk [tilespmem:v0+s3+$0x400 ss:$0x1], $0xffff;
	[tilespmem:s4+$0x10] =	vst v1  }
0x52: {  	v6 =	vld [tilespmem:s12+$0x3A0];
	[tilespmem:s4+$0x20] =	vst v4  }
0x53: {  	v5 =	vld [tilespmem:s12+$0x3B0];
	[tilespmem:s4+$0x30] =	vst v7  }
0x54: {  	[tilespmem:s4+$0x40] =	vst v8;
	v4 =	vld [tilespmem:s12+$0x3D0]  }
0x55: {  	s0 =	sadd.s32 s0, s1;
	[tilespmem:s4+$0x50] =	vst v9;
	v1 =	vld [tilespmem:s12+$0x3E0]  }
0x56: {  	[tilespmem:s0+$0x0] =	vst v3;
	v3 =	vld [tilespmem:s12+$0x3C0]  }
0x57: {  	p1 =	por p2, p2;
	s13 =	simm.s32 $0x80;
	[tilespmem:s4+$0x60] =	vst v10;
	v2 =	vld [tilespmem:s12+$0x3F0]  }
0x58: {  	s6 =	sand.u32 $0x300, s13;
	s3 =	simm.s32 $0x100;
	v7 =	vld [tilespmem:s12+$0xFFFFFF90];
	[tilespmem:s4+$0x70] =	vst v11;
	s12 =	sadd.s32 $0x80, s12  }
.LBB1_5:
0x59: {  	p2 =	sne.s32 s3, $0x380;
	v8 =	vld [tilespmem:s12+$0xFFFFFFA0];
	s13 =	sand.u32 $0x80, s13;
	s6 =	sadd.s32 s6, s27;
	[tilespmem:s4+$0x210] =	vst v6  }
0x5a: {  	s6 =	sadd.s32 s13, s6;
	v6 =	vld [tilespmem:s12+$0x400];
	[tilespmem:s4+$0x220] =	vst v5;
	s13 =	smov.u32 s3  }
0x5b: {  	v5 =	vld.idx.msk [tilespmem:v0+s6+$0x400 ss:$0x1], $0xffff;
	[tilespmem:s4+$0x230] =	vst v3  }
0x5c: {  	v3 =	vld [tilespmem:s12+$0xFFFFFFB0];
	[tilespmem:s4+$0x240] =	vst v4  }
0x5d: {  	v4 =	vld [tilespmem:s12+$0xFFFFFFC0];
	[tilespmem:s4+$0x0] =	vst v7  }
0x5e: {  	v7 =	vld [tilespmem:s12+$0xFFFFFFD0];
	[tilespmem:s4+$0x250] =	vst v1  }
0x5f: {  	v1 =	vld [tilespmem:s12+$0xFFFFFFE0];
	[tilespmem:s4+$0x260] =	vst v2;
	s4 =	sadd.s32 $0x400, s4  }
0x60: {  	s0 =	sadd.s32 $0x400, s0;
	v2 =	vld [tilespmem:s12+$0xFFFFFFF0];
	[tilespmem:s4+$0x270] =	vst v6  }
0x61: {  	v9 =	vld [tilespmem:s12+$0x0];
	[tilespmem:s0+$0x0] =	vst v5  }
0x62: {  	[tilespmem:s4+$0x10] =	vst v8;
	v6 =	vld [tilespmem:s12+$0x3A0]  }
0x63: {  	[tilespmem:s4+$0x20] =	vst v3;
	v5 =	vld [tilespmem:s12+$0x3B0]  }
.Ltmp3:
0x64: {  	[tilespmem:s4+$0x30] =	vst v4;
	v3 =	vld [tilespmem:s12+$0x3C0];
	(pc) =	sbr.rel @p2 .LBB1_5-.Ltmp3, $4  }
0x65: {  	[tilespmem:s4+$0x40] =	vst v7;
	v4 =	vld [tilespmem:s12+$0x3D0]  }
0x66: {  	[tilespmem:s4+$0x50] =	vst v1;
	v1 =	vld [tilespmem:s12+$0x3E0]  }
0x67: {  	[tilespmem:s4+$0x60] =	vst v2;
	v2 =	vld [tilespmem:s12+$0x3F0]  }
0x68: {  	s3 =	sadd.s32 $0x80, s3;
	s6 =	sand.u32 $0x300, s13;
	v7 =	vld [tilespmem:s12+$0xFFFFFF90];
	[tilespmem:s4+$0x70] =	vst v9;
	s12 =	sadd.s32 $0x80, s12  }
0x69: {  	[tilespmem:s4+$0x210] =	vst v6  }
0x6a: {  	[tilespmem:s4+$0x220] =	vst v5  }
0x6b: {  	v49 =	vld [tilespmem:s12+$0x400];
	[tilespmem:s4+$0x230] =	vst v3  }
0x6c: {  	v50 =	vld [tilespmem:s12+$0xFFFFFFA0];
	[tilespmem:s4+$0x240] =	vst v4  }
0x6d: {  	v51 =	vld [tilespmem:s12+$0xFFFFFFB0];
	[tilespmem:s4+$0x250] =	vst v1  }
0x6e: {  	v52 =	vld [tilespmem:s12+$0xFFFFFFC0];
	[tilespmem:s4+$0x260] =	vst v2  }
0x6f: {  	s3 =	sand.u32 $0x80, s13;
	s13 =	sadd.s32 $0x400, s4;
	v53 =	vld [tilespmem:s12+$0xFFFFFFD0];
	[tilespmem:s4+$0x0] =	vst v7  }
0x70: {  	v54 =	vld [tilespmem:s12+$0xFFFFFFE0];
	[tilespmem:s13+$0x270] =	vst v49  }
0x71: {  	v55 =	vld [tilespmem:s12+$0xFFFFFFF0];
	[tilespmem:s13+$0x10] =	vst v50  }
0x72: {  	v56 =	vld [tilespmem:s12+$0x0];
	[tilespmem:s13+$0x20] =	vst v51  }
0x73: {  	v57 =	vld [tilespmem:s12+$0x3A0];
	[tilespmem:s13+$0x30] =	vst v52  }
0x74: {  	v58 =	vld [tilespmem:s12+$0x3B0];
	[tilespmem:s13+$0x40] =	vst v53  }
0x75: {  	v59 =	vld [tilespmem:s12+$0x3C0];
	[tilespmem:s13+$0x50] =	vst v54  }
0x76: {  	v60 =	vld [tilespmem:s12+$0x3D0];
	[tilespmem:s13+$0x60] =	vst v55  }
0x77: {  	v61 =	vld [tilespmem:s12+$0xFFFFFF90];
	[tilespmem:s13+$0x70] =	vst v56  }
0x78: {  	s6 =	sadd.s32 s6, s27;
	v62 =	vld [tilespmem:s12+$0x3E0];
	[tilespmem:s13+$0x210] =	vst v57  }
0x79: {  	v63 =	vld [tilespmem:s12+$0x3F0];
	s3 =	sadd.s32 s3, s6;
	[tilespmem:s13+$0x220] =	vst v58  }
0x7a: {  	v0 =	vld.idx.msk [tilespmem:v0+s3+$0x400 ss:$0x1], $0xffff;
	[tilespmem:s13+$0x230] =	vst v59  }
.Ltmp4:
0x7b: {  	[tilespmem:s13+$0x240] =	vst v60;
	(pc) =	sbr.rel @p1 .LBB1_4-.Ltmp4, $4  }
0x7c: {  	[tilespmem:s13+$0x0] =	vst v61  }
0x7d: {  	[tilespmem:s13+$0x250] =	vst v62  }
0x7e: {  	s0 =	sadd.s32 $0x400, s0;
	[tilespmem:s13+$0x260] =	vst v63  }
0x7f: {  	p2 =	por $0x0, $0x0;
	[tilespmem:s0+$0x0] =	vst v0;
	s0 =	simm.s32 $0x1  }
0x80: {  	s30 =	sadd.s32 $0x1, s30  }
0x81: {  	p1 =	sne.s32 s30, $0x4  }
.Ltmp5:
0x82: {  	_ = 	snop;
	(pc) =	sbr.rel @p1 .LBB1_3-.Ltmp5, $3  }
0x83: {  	_ =	sdelay $0x1  }
0x84: {  	s25 =	sadd.s32 $0x1000, s25  }
0x85: {  	s29 =	sadd.s32 $0x80, s29;
	p0 =	por !p0, !p0;
	s26 =	sadd.s32 $0x80, s26  }
0x86: {  	s0 =	smul.u32 $0x62000, s22  }
0x87: {  	s1 =	sshll.u32 s23, $0x4;
	s3 =	smul.u32 $0x1C00, s21;
	s4 =	rddreg [dreg:$0x1]  }
.Ltmp6:
0x88: {  	s1 =	sand.u32 $0x30, s1;
	s0 =	sadd.s32 s4, s0;
	(pc) =	sbr.rel .LBB1_9-.Ltmp6, $4  }
0x89: {  	s0 =	sadd.s32 s1, s0  }
0x8a: {  	s29 =	sshll.u32 s20, $0x7;
	s30 =	simm.s32 $0x2000;
	s0 =	sadd.s32 s3, s0  }
0x8b: {  	s31 =	simm.s32 $0xE000;
	s27 =	rddreg [dreg:$0x3];
	s0 =	sadd.s32 s29, s0  }
0x8c: {  	[hbm4b:s0+s30] =	stream.strided.scatter [tilespmem:s24], [sflag:$0x2], $0x4000, s31, s30, $0x38;
	[tilespmem:$0x10000] =	vst v63  }
.LBB1_10:
0x8d: {  	_ =	sfence.sel $0x180000  }
0x8e: {  	s0 =	simm.s32 $0x1;
	[bflag:$0x0] =	sbarrier.arrive $0xFFFF  }
0x8f: {  	s30 =	simm.s32 $0x2;
	[sflag:s0] =	ssyncpa.u1 $0x1  }
0x90: {  	[sflag:s30] =	ssyncpa.u1 $0x1  }
0x91: {  	_ =	strace $0x90000047  }
0x92: {  	s31 =	stileid.u32;
	[bflag:$0x2] =	sbarrier.arrive $0xFFFF  }
0x93: {  	p0 =	sne.s32 s31, $0x0;
	s0 =	rddreg [dreg:$0x2]  }
0x94: {  	s0 =	sadd.s32 @!p0 $0x100000, s0  }
0x95: {  	[sflag:s0] =	ssyncadd.tile.s32 @!p0 $0x1;
	_ =	shalt  }
.Lfunc_end1:
_tile_overlayer_lowered:
.L_overlay_start_2:
0x96: {  	(tag) =	ssettag $0x2  }
0x97: {  	s0 =	rddreg [dreg:$0x0];
	s2 =	stileid.u32  }
0x98: {  	s1 =	rddreg [dreg:$0x1];
	p0 =	sne.s32 s2, $0x0  }
0x99: {  	s3 =	rddreg [dreg:$0x2];
	[bflag:$0x3] =	sbarrier.arrive $0xFFFF;
	s2 =	simm.s32 @!p0 $0x1C01  }
0x9a: {  	[timem:s3], [sflag:s2] =	dma.local @!p0 [hbm:s0], s1  }
0x9b: {  	s0 =	simm.s32 @!p0 $0x1  }
0x9c: {  	_ =	swait.ge @!p0 [sflag:s0], s1  }
0x9d: {  	s1 =	ssub.s32 @!p0 $0x0, s1;
	[sflag:s0] =	ssyncset.done @!p0 $0x0  }
0x9e: {  	[sflag:s0] =	ssyncadd.s32 @!p0 s1  }
0x9f: {  	[bflag:$0x3] =	sbarrier.arrive $0xFFFF  }
0xa0: {  	_ =	shalt  }

// kernel: sparse-core-data-format-call.cloned.1.call-start
scs
called_computation_lowered:
.L_overlay_start_0:
0x0: {  	s1 =	sld [smem:$0x3FD9]  }
0x1: {  	s2 =	sld [smem:$0x3FFE];
	_ =	sdelay $0x1  }
0x2: {  	s3 =	srdreg.scid  }
0x3: {  	s0 =	sand.u32 $0x1, s3  }
0x4: {  	s17 =	sshll.u32 s0, $0xA;
	s1 =	sadd.s32 s2, s1  }
0x5: {  	s1 =	sadd.s32 s1, s17  }
0x6: {  	[smem:$0x3FC4] =	sst s1  }
0x7: {  	_ = 	snop  }
0x8: {  	(tm) =	ssettm $0x1  }
0x9: {  	s18 =	sld [smem:$0x3FFB];
	_ =	sdelay $0x3  }
0xa: {  	_ =	strace s18  }
0xb: {  	s1 =	sld [smem:$0x3FFC];
	_ =	sdelay $0x3  }
0xc: {  	_ =	strace s1  }
0xd: {  	s1 =	sld [smem:$0x3FFD];
	_ =	sdelay $0x3  }
0xe: {  	_ =	strace s1  }
0xf: {  	_ =	strace $0x8FFFFFFF  }
0x10: {  	s19 =	sld [smem:$0x3FDB];
	_ =	sdelay $0x1  }
0x11: {  	s20 =	simm.s32 $_scs_section_size  }
0x12: {  	s4 =	simm.s32 $_size__tile_overlayer_lowered;
	s5 =	simm.s32 $_tile_overlayer_lowered  }
0x13: {  	s23 =	simm.s32 $0x1BFF;
	s22 =	sshll.u32 s5, $0x1;
	s1 =	sadd.s32 s20, s19  }
0x14: {  	s6 =	simm.s32 $0x0;
	s21 =	sshll.u32 s4, $0x1;
	s4 =	sadd.s32 s22, s1  }
0x15: {  	[timem:s6], [sflag:s23] =	dma.local [hbm:s4], s21  }
0x16: {  	_ =	swait.ge [sflag:s23], s21  }
0x17: {  	s2 =	ssub.s32 $0x0, s21;
	[sflag:s23] =	ssyncset.done $0x0  }
0x18: {  	[sflag:s23] =	ssyncadd.s32 s2;
	_ =	sdelay $0x1  }
0x19: {  	s24 =	simm.s32 $0x1B8B  }
0x1a: {  	_ =	swait.ge [sflag:s24], $0x1  }
0x1b: {  	[sflag:s24] =	ssyncset.done $0x0  }
0x1c: {  	s26 =	simm.s32 $0x1B8E;
	s25 =	sld [smem:$0x3FFE];
	[sflag:s24] =	ssyncadd.s32 $0xFFFFFFFF  }
0x1d: {  	s27 =	simm.s32 $execute0_lowered;
	[smem:$0x3FD2] =	sst s26  }
0x1e: {  	s4 =	sshll.u32 s27, $0x1;
	_ =	strace $0x8000004F;
	[dreg:$0x1] =	wrdreg $0xFFFFFFFF  }
0x1f: {  	s28 =	simm.s32 $_size_execute0_lowered;
	s1 =	sadd.s32 s1, s4;
	[dreg:$0x0] =	wrdreg $0x0  }
0x20: {  	s4 =	sshll.u32 s28, $0x1;
	[dreg:$0x2] =	wrdreg s1  }
0x21: {  	[dreg:$0x3] =	wrdreg s4  }
0x22: {  	[dreg:$0x4] =	wrdreg $0xC0  }
0x23: {  	_ =	task [dreg:s6], $0x5FFFF  }
0x24: {  	[dreg:$0x1] =	wrdreg $0xFFFFFFFF  }
0x25: {  	[dreg:$0x0] =	wrdreg $0x60  }
0x26: {  	[dreg:$0x2] =	wrdreg s25  }
0x27: {  	[dreg:$0x3] =	wrdreg $0x9  }
0x28: {  	_ =	task.clear_ibuf [dreg:s6], $0x4FFFF;
	_ =	strace $0x9000004F  }
0x29: {  	s29 =	simm.s32 $0x9;
	_ =	strace $0x80000051  }
0x2a: {  	_ =	swait.ge [sflag:s29], $0x1  }
0x2b: {  	[sflag:s29] =	ssyncadd.s32 $0xFFFFFFFF  }
0x2c: {  	_ =	strace $0x90000051  }
0x2d: {  	_ =	sfence  }
0x2e: {  	s30 =	sld [smem:$0x0];
	_ =	sdelay $0x2  }
0x2f: {  	s31 =	sshll.u32 s3, $0xD;
	s3 =	sshrl.u32 s3, $0x2  }
0x30: {  	s2 =	sand.u32 $0x4000, s31;
	s1 =	sadd.s32 s3, s30  }
0x31: {  	s0 =	sor.u32 s2, s0;
	s1 =	sshll.u32 s1, $0x11  }
0x32: {  	s0 =	sor.u32 s1, s0  }
0x33: {  	s0 =	sadd.s32 $0x8F2B, s0  }
0x34: {  	[sflag:s0] =	ssyncadd.remote.s32 $0x1  }
0x35: {  	_ =	sfence.sel $0xFFFF  }
0x36: {  	[dreg:$0x0] =	wrdreg $0xFFFFFFFF;
	(pc) =	sbr.abs _section_cstart, $3  }
0x37: {  	[dreg:$0x1] =	wrdreg $0xFFFFFFFF  }
0x38: {  	_ =	task.clear_ibuf [dreg:s6], $0x2FFFF;
	_ =	strace $0x9FFFFFFF  }
0x39: {  	(tm) =	ssettm $0x7FFFFFFF  }
tec
execute0_lowered:
.L_overlay_start_1:
0x0: {  	(tag) =	ssettag $0x1  }
0x1: {  	s0 =	srdreg.scid  }
0x2: {  	s1 =	sshll.u32 s0, $0x4  }
0x3: {  	s0 =	stileid.u32;
	s1 =	sand.u32 $0x10, s1  }
0x4: {  	s6 =	rddreg [dreg:$0x0];
	s8 =	sor.u32 s0, s1  }
0x5: {  	s5 =	simm.s32 $0x1;
	s9 =	simm.s32 $0x2;
	s1 =	sshll.u32 s8, $0x5  }
0x6: {  	s14 =	simm.s32 $0x0;
	s10 =	simm.s32 $0x30E00;
	s2 =	sand.u32 $0x380, s1  }
0x7: {  	s15 =	simm.s32 $0x0;
	s16 =	simm.s32 $0x0;
	s3 =	ssub.s32 $0x400, s2  }
0x8: {  	s11 =	simm.s32 $0x0;
	s13 =	simm.s32 $0x0;
	s4 =	sand.u32 $0x380, s3  }
0x9: {  	s8 =	sshll.u32 s8, $0x8;
	s1 =	rddreg [dreg:$0x1];
	p0 =	sne.s32 s4, $0x0  }
.Ltmp0:
0xa: {  	s7 =	sshrl.u32 s3, $0xA;
	s5 =	simm.s32 @!p0 $0x0;
	(pc) =	sbr.rel .LBB1_1-.Ltmp0, $4  }
0xb: {  	_ =	strace $0x80000050;
	s3 =	sadd.s32 $0x1E00, s6;
	s5 =	sadd.s32 s5, s7  }
0xc: {  	s6 =	sadd.s32 $0x186BE00, s6;
	s4 =	simm.s32 $0x1;
	s5 =	smul.u32 $0x187, s5  }
0xd: {  	[sflag:s4] =	ssyncpa.u1 $0x0;
	p0 =	por $0x0, $0x0;
	s7 =	sand.u32 $0x3, s0  }
0xe: {  	[sflag:s9] =	ssyncpa.u1 $0x0;
	s12 =	smov.u32 s7;
	s9 =	sadd.s32 $0x1, s5  }
.LBB1_4:
0xf: {  	s22 =	sshrl.u32 s16, $0x2  }
0x10: {  	s23 =	sshll.u32 s15, $0x2;
	s22 =	smul.u32 $0x30E00, s22  }
0x11: {  	s27 =	sshll.u32 s16, $0x7;
	s23 =	sand.u32 $0xFFFFFE00, s23  }
0x12: {  	v5 =	vld [tilespmem:s20+$0xFFFFFFD0];
	[tilespmem:s19+$0x2040 ss:$0x81] =	vst.msk $0xffff, v4;
	s16 =	sand.u32 $0x180, s27;
	s22 =	sadd.s32 s22, s23  }
0x13: {  	v58 =	vld [tilespmem:s20+$0xFFFFFFE0];
	[tilespmem:s19+$0x2850 ss:$0x81] =	vst.msk $0xffff, v3;
	s28 =	sand.u32 $0x7F, s15;
	s16 =	sor.u32 s16, s22  }
0x14: {  	s21 =	sshra.s32 s21, $0x2;
	v59 =	vld [tilespmem:s20+$0xFFFFFFF0];
	[tilespmem:s19+$0x3060 ss:$0x81] =	vst.msk $0xffff, v2;
	s15 =	sor.u32 s28, s16  }
0x15: {  	v60 =	vld [tilespmem:s20+$0x0];
	[tilespmem:s19+$0x0 ss:$0x81] =	vst.msk $0xffff, v0;
	s18 =	sadd.s32 s21, s18;
	s29 =	smulhi.u32 $0xA79C7B17, s15  }
0x16: {  	v61 =	vld [tilespmem:s20+$0x10];
	[tilespmem:s18+$0x3870 ss:$0x81] =	vst.msk $0xffff, v1;
	s16 =	smulhi.u32 $0xA79C7B17, s16  }
0x17: {  	v62 =	vld [tilespmem:s20+$0x20];
	[tilespmem:s18+$0x810 ss:$0x81] =	vst.msk $0xffff, v5;
	s19 =	sshrl.u32 s29, $0xF  }
0x18: {  	v63 =	vld [tilespmem:s20+$0xFFFFFFC0];
	[tilespmem:s18+$0x1020 ss:$0x81] =	vst.msk $0xffff, v58;
	s16 =	sshrl.u32 s16, $0xF;
	s19 =	smul.u32 $0xC380, s19  }
0x19: {  	s14 =	smul.u32 $0x61C0, s14;
	[tilespmem:s18+$0x1830 ss:$0x81] =	vst.msk $0xffff, v59;
	s16 =	sand.u32 $0x3, s16  }
0x1a: {  	[tilespmem:s18+$0x2040 ss:$0x81] =	vst.msk $0xffff, v60;
	s16 =	smul.u32 $0x1870, s16;
	s15 =	ssub.s32 s15, s19  }
0x1b: {  	s14 =	sadd.s32 s6, s14;
	[tilespmem:s18+$0x2850 ss:$0x81] =	vst.msk $0xffff, v61;
	s19 =	sand.u32 $0x7, s15  }
0x1c: {  	[tilespmem:s18+$0x3060 ss:$0x81] =	vst.msk $0xffff, v62;
	s14 =	sadd.s32 s16, s14;
	s15 =	sshrl.u32 s15, $0x3;
	s30 =	sshll.u32 s19, $0x12  }
0x1d: {  	[tilespmem:s18+$0x0 ss:$0x81] =	vst.msk $0xffff, v63;
	s14 =	sadd.s32 s15, s14;
	s31 =	sor.u32 $0x80, s30  }
0x1e: {  	[hbm4b:s14+s31] =	stream.strided.scatter [tilespmem:s17], [sflag:$0x2], $0x4000, s10, s31, $0x20;
	[tilespmem:$0x10100] =	vst v63  }
.LBB1_5:
0x1f: {  	s17 =	sadd.s32 $0x80, s11  }
0x20: {  	s15 =	sadd.s32 $0x4, s12;
	s18 =	smov.u32 s12;
	p2 =	sgt.s32 s17, $0xC34F  }
0x21: {  	s18 =	smov.u32 @p2 s15  }
0x22: {  	s17 =	simm.s32 @p2 $0x0;
	p2 =	sgt.s32 s18, $0x3  }
0x23: {  	s18 =	smov.u32 @p2 s7;
	p2 =	sne.s32 s13, s9  }
.Ltmp1:
0x24: {  	p1 =	slt.u32 s13, $0x2;
	(pc) =	sbr.rel @!p2 .LBB1_6-.Ltmp1, $4  }
0x25: {  	s16 =	smov.u32 s12;
	s14 =	simm.s32 @!p1 $0x2  }
0x26: {  	p0 =	por !p0, !p0;
	_ =	swait.ge @!p1 [sflag:s14], $0x4000;
	s15 =	smov.u32 s11  }
0x27: {  	[sflag:s14] =	ssyncset.done @!p1 $0x0;
	s11 =	smov.u32 s17;
	s13 =	sadd.s32 $0x1, s13  }
0x28: {  	[sflag:s14] =	ssyncadd.s32 @!p1 $0xFFFFC000;
	s14 =	smov.u32 s2;
	s12 =	smov.u32 s18  }
.LBB1_1:
0x29: {  	p1 =	sge.u32 s13, s5  }
0x2a: {  	s18 =	smov.u32 s11;
	s20 =	smov.u32 s12;
	s31 =	sadd.s32 $0xFFFFFFFF, s13  }
0x2b: {  	s17 =	sshll.u32 @!p1 s11, $0xA;
	p2 =	sgt.s32 @!p1 s11, $0xC2D0;
	s19 =	sshra.s32 @!p1 s11, $0x1F  }
0x2c: {  	p3 =	sgt.s32 @!p1 s12, $0x3;
	s21 =	sshra.s32 @!p1 s12, $0x1F;
	s17 =	sand.u32 @!p1 $0xFFFFE000, s17  }
0x2d: {  	p2 =	por !p2, p1;
	s19 =	sand.u32 @!p1 s19, s11;
	s21 =	sand.u32 @!p1 s21, s12  }
0x2e: {  	s17 =	sor.u32 @!p1 s8, s17;
	s18 =	simm.s32 @p2 $0xC2D0;
	p2 =	por !p3, p1  }
0x2f: {  	s17 =	sshrl.u32 @!p1 s17, $0xA;
	s18 =	ssub.s32 @!p1 s18, s19;
	s20 =	simm.s32 @p2 $0x3  }
0x30: {  	s19 =	smulhi.u32 @!p1 $0x53E2D7, s17;
	s20 =	ssub.s32 @!p1 s20, s21;
	s21 =	sadd.s32 @!p1 $0xFFFF3D30, s18  }
0x31: {  	s18 =	ssub.s32 @!p1 $0xC350, s18;
	s20 =	sadd.s32 @!p1 $0xFFFFFFFD, s20;
	p2 =	sgt.s32 @!p1 s21, $0x7F  }
0x32: {  	s21 =	sxor.u32 @!p1 $0xFFFFFFFF, s13;
	s19 =	sshrl.u32 @!p1 s19, $0x6;
	p3 =	sgt.s32 @!p1 s20, $0x0  }
0x33: {  	p2 =	por !p2, p1;
	s20 =	sshll.u32 @!p1 s20, $0x7;
	s19 =	smul.u32 @!p1 $0xC350, s19  }
0x34: {  	s18 =	simm.s32 @!p2 $0x0;
	s20 =	ssub.s32 @!p1 $0x80, s20;
	p2 =	por !p3, p1  }
0x35: {  	s20 =	simm.s32 @!p2 $0x0;
	s17 =	ssub.s32 @!p1 s17, s19;
	s19 =	smul.u32 @!p1 $0x61A800, s12  }
0x36: {  	s21 =	sshll.u32 @!p1 s21, $0xE;
	s18 =	smul.u32 @!p1 s18, s20;
	s20 =	sshll.u32 @!p1 s11, $0x4  }
0x37: {  	s21 =	sand.u32 @!p1 $0x4000, s21;
	s20 =	sand.u32 @!p1 $0x70, s20;
	s19 =	sadd.s32 @!p1 s3, s19  }
0x38: {  	s17 =	sshll.u32 @!p1 s17, $0x7;
	s18 =	sand.u32 @!p1 $0x3FFFFF80, s18;
	s19 =	sadd.s32 @!p1 s20, s19  }
0x39: {  	s20 =	simm.s32 @!p1 $0x2000;
	s17 =	sadd.s32 @!p1 s17, s19;
	s19 =	simm.s32 @!p1 $0x400  }
0x3a: {  	[tilespmem:s21], [sflag:$0x1] =	stream.strided.gather @!p1 [hbm4b:s17+s19], s18, s20, s19, $0x38;
	[tilespmem:$0x10100] =	vst v63  }
0x3b: {  	p1 =	sge.u32 s31, s5  }
.Ltmp2:
0x3c: {  	_ = 	snop;
	(pc) =	sbr.rel @p1 .LBB1_5-.Ltmp2, $1  }
0x3d: {  	_ =	sdelay $0x3  }
0x3e: {  	p1 =	sgt.s32 s16, $0x3;
	s17 =	smov.u32 s16  }
0x3f: {  	s18 =	sshra.s32 s16, $0x1F;
	s19 =	smov.u32 s15;
	s20 =	sshra.s32 s15, $0x1F  }
0x40: {  	s17 =	simm.s32 @!p1 $0x3;
	s18 =	sand.u32 s18, s16;
	p1 =	sgt.s32 s15, $0xC2D0  }
0x41: {  	s27 =	sand.u32 s20, s15;
	s17 =	ssub.s32 s17, s18;
	s19 =	simm.s32 @!p1 $0xC2D0  }
0x42: {  	s17 =	sadd.s32 $0xFFFFFFFD, s17;
	s18 =	ssub.s32 s19, s27  }
0x43: {  	p1 =	sgt.s32 s17, $0x0;
	s19 =	sadd.s32 $0xFFFF3D30, s18;
	s17 =	sshll.u32 s17, $0x7  }
0x44: {  	s18 =	ssub.s32 $0xC350, s18;
	p2 =	sgt.s32 s19, $0x7F;
	s17 =	ssub.s32 $0x80, s17  }
0x45: {  	s18 =	simm.s32 @p2 $0x0;
	s17 =	simm.s32 @p1 $0x0  }
0x46: {  	s17 =	smul.u32 s18, s17;
	_ =	sdelay $0x1  }
0x47: {  	s18 =	simm.s32 $0x1;
	s17 =	sand.u32 $0x3FFFFF80, s17  }
0x48: {  	s18 =	simm.s32 @!p0 $0x0;
	_ =	swait.ge [sflag:s4], s17  }
0x49: {  	s28 =	sshll.u32 s18, $0xE;
	s17 =	ssub.s32 $0x0, s17;
	[sflag:s4] =	ssyncset.done $0x0  }
0x4a: {  	s29 =	sor.u32 $0x40, s28;
	[sflag:s4] =	ssyncadd.s32 s17  }
0x4b: {  	s30 =	smul.u32 $0x10200, s18;
	v0 =	vld [tilespmem:s29+$0x30]  }
0x4c: {  	v1 =	vld [tilespmem:s29+$0xFFFFFFD0]  }
0x4d: {  	s17 =	sshrl.u32 s30, $0x2;
	v5 =	vld [tilespmem:s29+$0xFFFFFFE0]  }
0x4e: {  	s18 =	sor.u32 $0x8000, s17;
	v6 =	vld [tilespmem:s29+$0xFFFFFFF0]  }
0x4f: {  	s31 =	sand.u32 $0x1, s13;
	v4 =	vld [tilespmem:s29+$0x0];
	s19 =	sadd.s32 $0x0, s18  }
0x50: {  	s17 =	smul.u32 $0x10200, s31;
	v3 =	vld [tilespmem:s29+$0x10];
	[tilespmem:s19+$0x3870 ss:$0x81] =	vst.msk $0xffff, v0  }
0x51: {  	v2 =	vld [tilespmem:s29+$0x20];
	[tilespmem:s19+$0x810 ss:$0x81] =	vst.msk $0xffff, v1  }
0x52: {  	s20 =	sadd.s32 $0x80, s29;
	s17 =	sshrl.u32 s17, $0x2;
	v0 =	vld [tilespmem:s29+$0xFFFFFFC0];
	[tilespmem:s19+$0x1020 ss:$0x81] =	vst.msk $0xffff, v5  }
0x53: {  	s21 =	simm.s32 $0x4;
	s22 =	simm.s32 $0x8;
	s17 =	sor.u32 $0x8000, s17;
	v1 =	vld [tilespmem:s20+$0x30];
	[tilespmem:s19+$0x1830 ss:$0x81] =	vst.msk $0xffff, v6  }
.LBB1_3:
0x54: {  	p1 =	sne.s32 s22, $0x1FC;
	v5 =	vld [tilespmem:s20+$0xFFFFFFD0];
	[tilespmem:s19+$0x2040 ss:$0x81] =	vst.msk $0xffff, v4  }
0x55: {  	v6 =	vld [tilespmem:s20+$0xFFFFFFE0];
	[tilespmem:s19+$0x2850 ss:$0x81] =	vst.msk $0xffff, v3  }
0x56: {  	s23 =	sshra.s32 s21, $0x2;
	s21 =	smov.u32 s22;
	v7 =	vld [tilespmem:s20+$0xFFFFFFF0];
	[tilespmem:s19+$0x3060 ss:$0x81] =	vst.msk $0xffff, v2  }
.Ltmp3:
0x57: {  	v4 =	vld [tilespmem:s20+$0x0];
	[tilespmem:s19+$0x0 ss:$0x81] =	vst.msk $0xffff, v0;
	s19 =	sadd.s32 s23, s18;
	(pc) =	sbr.rel @p1 .LBB1_3-.Ltmp3, $4  }
0x58: {  	v3 =	vld [tilespmem:s20+$0x10];
	[tilespmem:s19+$0x3870 ss:$0x81] =	vst.msk $0xffff, v1  }
0x59: {  	[tilespmem:s19+$0x810 ss:$0x81] =	vst.msk $0xffff, v5;
	v2 =	vld [tilespmem:s20+$0x20]  }
0x5a: {  	v0 =	vld [tilespmem:s20+$0xFFFFFFC0];
	[tilespmem:s19+$0x1020 ss:$0x81] =	vst.msk $0xffff, v6;
	s20 =	sadd.s32 $0x80, s20  }
0x5b: {  	s22 =	sadd.s32 $0x4, s22;
	v1 =	vld [tilespmem:s20+$0x30];
	[tilespmem:s19+$0x1830 ss:$0x81] =	vst.msk $0xffff, v7  }
.Ltmp4:
0x5c: {  	_ = 	snop;
	(pc) =	sbr.rel .LBB1_4-.Ltmp4, $1  }
0x5d: {  	_ =	sdelay $0x3  }
.LBB1_6:
0x5e: {  	_ =	sfence.sel $0x180000  }
0x5f: {  	s2 =	simm.s32 $0x1;
	[bflag:$0x0] =	sbarrier.arrive $0xFFFF  }
0x60: {  	s31 =	simm.s32 $0x2;
	[sflag:s2] =	ssyncpa.u1 $0x1  }
0x61: {  	[sflag:s31] =	ssyncpa.u1 $0x1  }
0x62: {  	p0 =	sne.s32 s0, $0x0;
	_ =	strace $0x90000050  }
0x63: {  	s0 =	sadd.s32 @!p0 $0x100000, s1;
	[bflag:$0x2] =	sbarrier.arrive $0xFFFF  }
0x64: {  	[sflag:s0] =	ssyncadd.tile.s32 @!p0 $0x1;
	_ =	shalt  }
.Lfunc_end1:
_tile_overlayer_lowered:
.L_overlay_start_2:
0x65: {  	(tag) =	ssettag $0x2  }
0x66: {  	s0 =	rddreg [dreg:$0x0];
	s2 =	stileid.u32  }
0x67: {  	s1 =	rddreg [dreg:$0x1];
	p0 =	sne.s32 s2, $0x0  }
0x68: {  	s3 =	rddreg [dreg:$0x2];
	[bflag:$0x3] =	sbarrier.arrive $0xFFFF;
	s2 =	simm.s32 @!p0 $0x1C01  }
0x69: {  	[timem:s3], [sflag:s2] =	dma.local @!p0 [hbm:s0], s1  }
0x6a: {  	s0 =	simm.s32 @!p0 $0x1  }
0x6b: {  	_ =	swait.ge @!p0 [sflag:s0], s1  }
0x6c: {  	s1 =	ssub.s32 @!p0 $0x0, s1;
	[sflag:s0] =	ssyncset.done @!p0 $0x0  }
0x6d: {  	[sflag:s0] =	ssyncadd.s32 @!p0 s1  }
0x6e: {  	[bflag:$0x3] =	sbarrier.arrive $0xFFFF  }
0x6f: {  	_ =	shalt  }

</sc_bundles>
